<compile_context>
chip_gen: v7x
topology: tpu7x:2x2x1
jax: 0.10.2.dev20260603
libtpu: 0.0.44.dev20260713+nightly
codegen_flags: <defaults>
</compile_context>

<pallas_src>
import functools
import jax
import jax.numpy as jnp
from jax import lax
from jax.experimental import pallas as pl
from jax.experimental.pallas import tpu as pltpu
from jax.experimental.pallas import tpu_sc as plsc

_N = 4096
_T = 1024
_NW = 16
_CHUNK = _N // _NW
_L = 16
_ROW = 2 * _T + 128
_EPS = 1e-07


def _sc_hist_body(h_hbm, ev_hbm, et_hbm, out_hbm, h_v, ev_v, et_v, hist_v, sem):
    wid = lax.axis_index("s")
    base = wid * _CHUNK
    cp1 = pltpu.async_copy(h_hbm.at[pl.ds(base, _CHUNK)], h_v, sem)
    cp2 = pltpu.async_copy(ev_hbm.at[pl.ds(base, _CHUNK)], ev_v, sem)
    cp3 = pltpu.async_copy(et_hbm.at[pl.ds(base, _CHUNK)], et_v, sem)
    zeros = jnp.zeros((_L,), jnp.float32)
    for i in range(_ROW // _L):
        hist_v[pl.ds(i * _L, _L)] = zeros
    cp1.wait()
    cp2.wait()
    cp3.wait()
    acc = zeros
    for k in range(_CHUNK // _L):
        sl = pl.ds(k * _L, _L)
        idx = et_v[sl]
        plsc.addupdate_scatter(hist_v, [idx], jnp.exp(h_v[sl]))
        plsc.addupdate_scatter(hist_v, [idx + _T], ev_v[sl])
        acc = acc + ev_v[sl] * h_v[sl]
    hist_v[pl.ds(2 * _T, _L)] = acc
    pltpu.sync_copy(hist_v, out_hbm.at[wid])


@functools.cache
def _sc_hist():
    return pl.kernel(
        _sc_hist_body,
        out_type=jax.ShapeDtypeStruct((_NW, _ROW), jnp.float32),
        mesh=plsc.VectorSubcoreMesh(core_axis_name="c", subcore_axis_name="s",
                                    num_cores=1, num_subcores=_NW),
        scratch_types=[
            pltpu.VMEM((_CHUNK,), jnp.float32),
            pltpu.VMEM((_CHUNK,), jnp.float32),
            pltpu.VMEM((_CHUNK,), jnp.int32),
            pltpu.VMEM((_ROW,), jnp.float32),
            pltpu.SemaphoreType.DMA,
        ],
        compiler_params=pltpu.CompilerParams(needs_layout_passes=False),
    )


def _tc_fin_body(hist_ref, out_ref):
    hs = jnp.sum(hist_ref[...], axis=0, keepdims=True)
    w = hs[:, :_T]
    c = hs[:, _T:2 * _T]
    evh = jnp.sum(hs[:, 2 * _T:])
    ra = lax.broadcasted_iota(jnp.int32, (_T, _T), 0)
    rb = lax.broadcasted_iota(jnp.int32, (_T, _T), 1)
    tri = (ra >= rb).astype(jnp.float32)
    suffix = jnp.dot(w, tri, preferred_element_type=jnp.float32,
                     precision=lax.Precision.HIGHEST)
    lterm = jnp.sum(jnp.where(c > 0., c * jnp.log(jnp.maximum(suffix, 1e-37)), 0.))
    nev = jnp.sum(c)
    out_ref[0, 0] = (lterm - evh) / (nev + _EPS)


def _tc_fin(hist):
    return pl.pallas_call(
        _tc_fin_body,
        out_specs=pl.BlockSpec(memory_space=pltpu.SMEM),
        out_shape=jax.ShapeDtypeStruct((1, 1), jnp.float32),
    )(hist)


def kernel(hazard, is_event, event_time):
    h = hazard.reshape(-1).astype(jnp.float32)
    ev = is_event.astype(jnp.float32).reshape(-1)
    eti = event_time.astype(jnp.int32)
    hist = _sc_hist()(h, ev, eti)
    out = _tc_fin(hist)
    return out[0, 0]

# --- scband reference (transcript-rebuilt; emitter-appended) ---
"""Pipeline reference for scband-cox-nll-24275155157230 (READ-ONLY COPY).

The authoritative reference and input builder live on the scoring server;
editing this copy changes nothing except your own understanding.
"""

import jax, jax.numpy as jnp
import numpy as np

TIME_UNIT = 1
EPSILON = 1e-07
N = 4096

def setup_inputs(seed: int = 0) -> dict:
    key = jax.random.key(seed)
    k1, k2, k3 = jax.random.split(key, 3)
    hazard = jax.random.normal(k1, (N,), dtype=jnp.float32)
    is_event = jax.random.randint(k2, (N,), 0, 2).astype(jnp.float32)
    event_time = jax.random.randint(k3, (N,), 0, 1000).astype(jnp.int64)
    return {"hazard": hazard, "is_event": is_event, "event_time": event_time}

def reference(hazard, is_event, event_time):
    # Cox NLL, Breslow ties (random_ties=False path)
    hazard = hazard.reshape(-1).astype(jnp.float32)
    is_event = is_event.astype(jnp.float32)
    et = (event_time.astype(jnp.float32) / TIME_UNIT).astype(jnp.int32)
    n_events = jnp.sum(is_event)
    # risk_set[i, j] = (T_j >= T_i)
    risk_set = et[None, :] >= et[:, None]
    logits = jnp.where(risk_set, hazard[None, :], -jnp.inf)
    lse = jax.scipy.special.logsumexp(logits, axis=1)
    loss_per_sample = is_event * (lse - hazard)
    loss = jnp.sum(loss_per_sample) / (n_events + EPSILON)
    return loss

if __name__ == "__main__":
    import jax
    _d = setup_inputs()
    print(jax.jit(kernel)(*tuple(_d.values())))

</pallas_src>

<mosaic_0001>
#map = affine_map<(d0, d1) -> (0)>
#map1 = affine_map<(d0, d1) -> (0, 0)>
module attributes {stable_mosaic.version = 14 : i64} {
  func.func @_sc_hist_body(%arg0: i32, %arg1: i32, %arg2: memref<4096xf32, #tpu.memory_space<hbm>>, %arg3: memref<4096xf32, #tpu.memory_space<hbm>>, %arg4: memref<4096xi32, #tpu.memory_space<hbm>>, %arg5: memref<16x2176xf32, #tpu.memory_space<hbm>>, %arg6: memref<256xf32, #tpu.memory_space<vmem>>, %arg7: memref<256xf32, #tpu.memory_space<vmem>>, %arg8: memref<256xi32, #tpu.memory_space<vmem>>, %arg9: memref<2176xf32, #tpu.memory_space<vmem>>, %arg10: memref<!tpu.dma_semaphore, #tpu.memory_space<semaphore_mem>>) attributes {dimension_semantics = [#tpu.dimension_semantics<core_parallel>, #tpu.dimension_semantics<subcore_parallel>], iteration_bounds = array<i64: 1, 16>, scalar_prefetch = 0 : i64, scratch_operands = 5 : i64, tpu.core_type = #tpu.core_type<sc_vector_subcore>, window_params = [{transform_indices = #map}, {transform_indices = #map}, {transform_indices = #map}, {transform_indices = #map1}]} {
    %mul3A = arith.constant 256 : i32
    %mul3A_0 = arith.muli %arg1, %mul3A : i32
    %dma_start3A = tpu.memref_slice %arg2[%mul3A_0] : memref<4096xf32, #tpu.memory_space<hbm>> -> memref<256xf32, #tpu.memory_space<hbm>>
    %dma_start3A_1 = tpu.memref_slice %arg2[%mul3A_0] : memref<4096xf32, #tpu.memory_space<hbm>> -> memref<256xf32, #tpu.memory_space<hbm>>
    tpu.enqueue_dma source(%dma_start3A_1 : memref<256xf32, #tpu.memory_space<hbm>>) target(%arg6 : memref<256xf32, #tpu.memory_space<vmem>>) target_semaphore(%arg10 : memref<!tpu.dma_semaphore, #tpu.memory_space<semaphore_mem>>)
    %dma_start3A_2 = tpu.memref_slice %arg3[%mul3A_0] : memref<4096xf32, #tpu.memory_space<hbm>> -> memref<256xf32, #tpu.memory_space<hbm>>
    %dma_start3A_3 = tpu.memref_slice %arg3[%mul3A_0] : memref<4096xf32, #tpu.memory_space<hbm>> -> memref<256xf32, #tpu.memory_space<hbm>>
    tpu.enqueue_dma source(%dma_start3A_3 : memref<256xf32, #tpu.memory_space<hbm>>) target(%arg7 : memref<256xf32, #tpu.memory_space<vmem>>) target_semaphore(%arg10 : memref<!tpu.dma_semaphore, #tpu.memory_space<semaphore_mem>>)
    %dma_start3A_4 = tpu.memref_slice %arg4[%mul3A_0] : memref<4096xi32, #tpu.memory_space<hbm>> -> memref<256xi32, #tpu.memory_space<hbm>>
    %dma_start3A_5 = tpu.memref_slice %arg4[%mul3A_0] : memref<4096xi32, #tpu.memory_space<hbm>> -> memref<256xi32, #tpu.memory_space<hbm>>
    tpu.enqueue_dma source(%dma_start3A_5 : memref<256xi32, #tpu.memory_space<hbm>>) target(%arg8 : memref<256xi32, #tpu.memory_space<vmem>>) target_semaphore(%arg10 : memref<!tpu.dma_semaphore, #tpu.memory_space<semaphore_mem>>)
    %broadcast_in_dim3A = arith.constant 0.000000e+00 : f32
    %broadcast_in_dim3A_6 = vector.broadcast %broadcast_in_dim3A : f32 to vector<16xf32>
    %swap3A = arith.constant 0 : index
    %swap3A_7 = tpu.vector_load %arg9[%swap3A] {strides = array<i32>} : memref<2176xf32, #tpu.memory_space<vmem>>, vector<16xf32>,
    tpu.vector_store %arg9[%swap3A], %broadcast_in_dim3A_6 {strides = array<i32>} : memref<2176xf32, #tpu.memory_space<vmem>>, vector<16xf32>,
    %swap3A_8 = arith.constant 16 : index
    %swap3A_9 = tpu.vector_load %arg9[%swap3A_8] {strides = array<i32>} : memref<2176xf32, #tpu.memory_space<vmem>>, vector<16xf32>,
    tpu.vector_store %arg9[%swap3A_8], %broadcast_in_dim3A_6 {strides = array<i32>} : memref<2176xf32, #tpu.memory_space<vmem>>, vector<16xf32>,
    %swap3A_10 = arith.constant 32 : index
    %swap3A_11 = tpu.vector_load %arg9[%swap3A_10] {strides = array<i32>} : memref<2176xf32, #tpu.memory_space<vmem>>, vector<16xf32>,
    tpu.vector_store %arg9[%swap3A_10], %broadcast_in_dim3A_6 {strides = array<i32>} : memref<2176xf32, #tpu.memory_space<vmem>>, vector<16xf32>,
    %swap3A_12 = arith.constant 48 : index
    %swap3A_13 = tpu.vector_load %arg9[%swap3A_12] {strides = array<i32>} : memref<2176xf32, #tpu.memory_space<vmem>>, vector<16xf32>,
    tpu.vector_store %arg9[%swap3A_12], %broadcast_in_dim3A_6 {strides = array<i32>} : memref<2176xf32, #tpu.memory_space<vmem>>, vector<16xf32>,
    %swap3A_14 = arith.constant 64 : index
    %swap3A_15 = tpu.vector_load %arg9[%swap3A_14] {strides = array<i32>} : memref<2176xf32, #tpu.memory_space<vmem>>, vector<16xf32>,
    tpu.vector_store %arg9[%swap3A_14], %broadcast_in_dim3A_6 {strides = array<i32>} : memref<2176xf32, #tpu.memory_space<vmem>>, vector<16xf32>,
    %swap3A_16 = arith.constant 80 : index
    %swap3A_17 = tpu.vector_load %arg9[%swap3A_16] {strides = array<i32>} : memref<2176xf32, #tpu.memory_space<vmem>>, vector<16xf32>,
    tpu.vector_store %arg9[%swap3A_16], %broadcast_in_dim3A_6 {strides = array<i32>} : memref<2176xf32, #tpu.memory_space<vmem>>, vector<16xf32>,
    %swap3A_18 = arith.constant 96 : index
    %swap3A_19 = tpu.vector_load %arg9[%swap3A_18] {strides = array<i32>} : memref<2176xf32, #tpu.memory_space<vmem>>, vector<16xf32>,
    tpu.vector_store %arg9[%swap3A_18], %broadcast_in_dim3A_6 {strides = array<i32>} : memref<2176xf32, #tpu.memory_space<vmem>>, vector<16xf32>,
    %swap3A_20 = arith.constant 112 : index
    %swap3A_21 = tpu.vector_load %arg9[%swap3A_20] {strides = array<i32>} : memref<2176xf32, #tpu.memory_space<vmem>>, vector<16xf32>,
    tpu.vector_store %arg9[%swap3A_20], %broadcast_in_dim3A_6 {strides = array<i32>} : memref<2176xf32, #tpu.memory_space<vmem>>, vector<16xf32>,
    %swap3A_22 = arith.constant 128 : index
    %swap3A_23 = tpu.vector_load %arg9[%swap3A_22] {strides = array<i32>} : memref<2176xf32, #tpu.memory_space<vmem>>, vector<16xf32>,
    tpu.vector_store %arg9[%swap3A_22], %broadcast_in_dim3A_6 {strides = array<i32>} : memref<2176xf32, #tpu.memory_space<vmem>>, vector<16xf32>,
    %swap3A_24 = arith.constant 144 : index
    %swap3A_25 = tpu.vector_load %arg9[%swap3A_24] {strides = array<i32>} : memref<2176xf32, #tpu.memory_space<vmem>>, vector<16xf32>,
    tpu.vector_store %arg9[%swap3A_24], %broadcast_in_dim3A_6 {strides = array<i32>} : memref<2176xf32, #tpu.memory_space<vmem>>, vector<16xf32>,
    %swap3A_26 = arith.constant 160 : index
    %swap3A_27 = tpu.vector_load %arg9[%swap3A_26] {strides = array<i32>} : memref<2176xf32, #tpu.memory_space<vmem>>, vector<16xf32>,
    tpu.vector_store %arg9[%swap3A_26], %broadcast_in_dim3A_6 {strides = array<i32>} : memref<2176xf32, #tpu.memory_space<vmem>>, vector<16xf32>,
    %swap3A_28 = arith.constant 176 : index
    %swap3A_29 = tpu.vector_load %arg9[%swap3A_28] {strides = array<i32>} : memref<2176xf32, #tpu.memory_space<vmem>>, vector<16xf32>,
    tpu.vector_store %arg9[%swap3A_28], %broadcast_in_dim3A_6 {strides = array<i32>} : memref<2176xf32, #tpu.memory_space<vmem>>, vector<16xf32>,
    %swap3A_30 = arith.constant 192 : index
    %swap3A_31 = tpu.vector_load %arg9[%swap3A_30] {strides = array<i32>} : memref<2176xf32, #tpu.memory_space<vmem>>, vector<16xf32>,
    tpu.vector_store %arg9[%swap3A_30], %broadcast_in_dim3A_6 {strides = array<i32>} : memref<2176xf32, #tpu.memory_space<vmem>>, vector<16xf32>,
    %swap3A_32 = arith.constant 208 : index
    %swap3A_33 = tpu.vector_load %arg9[%swap3A_32] {strides = array<i32>} : memref<2176xf32, #tpu.memory_space<vmem>>, vector<16xf32>,
    tpu.vector_store %arg9[%swap3A_32], %broadcast_in_dim3A_6 {strides = array<i32>} : memref<2176xf32, #tpu.memory_space<vmem>>, vector<16xf32>,
    %swap3A_34 = arith.constant 224 : index
    %swap3A_35 = tpu.vector_load %arg9[%swap3A_34] {strides = array<i32>} : memref<2176xf32, #tpu.memory_space<vmem>>, vector<16xf32>,
    tpu.vector_store %arg9[%swap3A_34], %broadcast_in_dim3A_6 {strides = array<i32>} : memref<2176xf32, #tpu.memory_space<vmem>>, vector<16xf32>,
    %swap3A_36 = arith.constant 240 : index
    %swap3A_37 = tpu.vector_load %arg9[%swap3A_36] {strides = array<i32>} : memref<2176xf32, #tpu.memory_space<vmem>>, vector<16xf32>,
    tpu.vector_store %arg9[%swap3A_36], %broadcast_in_dim3A_6 {strides = array<i32>} : memref<2176xf32, #tpu.memory_space<vmem>>, vector<16xf32>,
    %swap3A_38 = arith.constant 256 : index
    %swap3A_39 = tpu.vector_load %arg9[%swap3A_38] {strides = array<i32>} : memref<2176xf32, #tpu.memory_space<vmem>>, vector<16xf32>,
    tpu.vector_store %arg9[%swap3A_38], %broadcast_in_dim3A_6 {strides = array<i32>} : memref<2176xf32, #tpu.memory_space<vmem>>, vector<16xf32>,
    %swap3A_40 = arith.constant 272 : index
    %swap3A_41 = tpu.vector_load %arg9[%swap3A_40] {strides = array<i32>} : memref<2176xf32, #tpu.memory_space<vmem>>, vector<16xf32>,
    tpu.vector_store %arg9[%swap3A_40], %broadcast_in_dim3A_6 {strides = array<i32>} : memref<2176xf32, #tpu.memory_space<vmem>>, vector<16xf32>,
    %swap3A_42 = arith.constant 288 : index
    %swap3A_43 = tpu.vector_load %arg9[%swap3A_42] {strides = array<i32>} : memref<2176xf32, #tpu.memory_space<vmem>>, vector<16xf32>,
    tpu.vector_store %arg9[%swap3A_42], %broadcast_in_dim3A_6 {strides = array<i32>} : memref<2176xf32, #tpu.memory_space<vmem>>, vector<16xf32>,
    %swap3A_44 = arith.constant 304 : index
    %swap3A_45 = tpu.vector_load %arg9[%swap3A_44] {strides = array<i32>} : memref<2176xf32, #tpu.memory_space<vmem>>, vector<16xf32>,
    tpu.vector_store %arg9[%swap3A_44], %broadcast_in_dim3A_6 {strides = array<i32>} : memref<2176xf32, #tpu.memory_space<vmem>>, vector<16xf32>,
    %swap3A_46 = arith.constant 320 : index
    %swap3A_47 = tpu.vector_load %arg9[%swap3A_46] {strides = array<i32>} : memref<2176xf32, #tpu.memory_space<vmem>>, vector<16xf32>,
    tpu.vector_store %arg9[%swap3A_46], %broadcast_in_dim3A_6 {strides = array<i32>} : memref<2176xf32, #tpu.memory_space<vmem>>, vector<16xf32>,
    %swap3A_48 = arith.constant 336 : index
    %swap3A_49 = tpu.vector_load %arg9[%swap3A_48] {strides = array<i32>} : memref<2176xf32, #tpu.memory_space<vmem>>, vector<16xf32>,
    tpu.vector_store %arg9[%swap3A_48], %broadcast_in_dim3A_6 {strides = array<i32>} : memref<2176xf32, #tpu.memory_space<vmem>>, vector<16xf32>,
    %swap3A_50 = arith.constant 352 : index
    %swap3A_51 = tpu.vector_load %arg9[%swap3A_50] {strides = array<i32>} : memref<2176xf32, #tpu.memory_space<vmem>>, vector<16xf32>,
    tpu.vector_store %arg9[%swap3A_50], %broadcast_in_dim3A_6 {strides = array<i32>} : memref<2176xf32, #tpu.memory_space<vmem>>, vector<16xf32>,
    %swap3A_52 = arith.constant 368 : index
    %swap3A_53 = tpu.vector_load %arg9[%swap3A_52] {strides = array<i32>} : memref<2176xf32, #tpu.memory_space<vmem>>, vector<16xf32>,
    tpu.vector_store %arg9[%swap3A_52], %broadcast_in_dim3A_6 {strides = array<i32>} : memref<2176xf32, #tpu.memory_space<vmem>>, vector<16xf32>,
    %swap3A_54 = arith.constant 384 : index
    %swap3A_55 = tpu.vector_load %arg9[%swap3A_54] {strides = array<i32>} : memref<2176xf32, #tpu.memory_space<vmem>>, vector<16xf32>,
    tpu.vector_store %arg9[%swap3A_54], %broadcast_in_dim3A_6 {strides = array<i32>} : memref<2176xf32, #tpu.memory_space<vmem>>, vector<16xf32>,
    %swap3A_56 = arith.constant 400 : index
    %swap3A_57 = tpu.vector_load %arg9[%swap3A_56] {strides = array<i32>} : memref<2176xf32, #tpu.memory_space<vmem>>, vector<16xf32>,
    tpu.vector_store %arg9[%swap3A_56], %broadcast_in_dim3A_6 {strides = array<i32>} : memref<2176xf32, #tpu.memory_space<vmem>>, vector<16xf32>,
    %swap3A_58 = arith.constant 416 : index
    %swap3A_59 = tpu.vector_load %arg9[%swap3A_58] {strides = array<i32>} : memref<2176xf32, #tpu.memory_space<vmem>>, vector<16xf32>,
    tpu.vector_store %arg9[%swap3A_58], %broadcast_in_dim3A_6 {strides = array<i32>} : memref<2176xf32, #tpu.memory_space<vmem>>, vector<16xf32>,
    %swap3A_60 = arith.constant 432 : index
    %swap3A_61 = tpu.vector_load %arg9[%swap3A_60] {strides = array<i32>} : memref<2176xf32, #tpu.memory_space<vmem>>, vector<16xf32>,
    tpu.vector_store %arg9[%swap3A_60], %broadcast_in_dim3A_6 {strides = array<i32>} : memref<2176xf32, #tpu.memory_space<vmem>>, vector<16xf32>,
    %swap3A_62 = arith.constant 448 : index
    %swap3A_63 = tpu.vector_load %arg9[%swap3A_62] {strides = array<i32>} : memref<2176xf32, #tpu.memory_space<vmem>>, vector<16xf32>,
    tpu.vector_store %arg9[%swap3A_62], %broadcast_in_dim3A_6 {strides = array<i32>} : memref<2176xf32, #tpu.memory_space<vmem>>, vector<16xf32>,
    %swap3A_64 = arith.constant 464 : index
    %swap3A_65 = tpu.vector_load %arg9[%swap3A_64] {strides = array<i32>} : memref<2176xf32, #tpu.memory_space<vmem>>, vector<16xf32>,
    tpu.vector_store %arg9[%swap3A_64], %broadcast_in_dim3A_6 {strides = array<i32>} : memref<2176xf32, #tpu.memory_space<vmem>>, vector<16xf32>,
    %swap3A_66 = arith.constant 480 : index
    %swap3A_67 = tpu.vector_load %arg9[%swap3A_66] {strides = array<i32>} : memref<2176xf32, #tpu.memory_space<vmem>>, vector<16xf32>,
    tpu.vector_store %arg9[%swap3A_66], %broadcast_in_dim3A_6 {strides = array<i32>} : memref<2176xf32, #tpu.memory_space<vmem>>, vector<16xf32>,
    %swap3A_68 = arith.constant 496 : index
    %swap3A_69 = tpu.vector_load %arg9[%swap3A_68] {strides = array<i32>} : memref<2176xf32, #tpu.memory_space<vmem>>, vector<16xf32>,
    tpu.vector_store %arg9[%swap3A_68], %broadcast_in_dim3A_6 {strides = array<i32>} : memref<2176xf32, #tpu.memory_space<vmem>>, vector<16xf32>,
    %swap3A_70 = arith.constant 512 : index
    %swap3A_71 = tpu.vector_load %arg9[%swap3A_70] {strides = array<i32>} : memref<2176xf32, #tpu.memory_space<vmem>>, vector<16xf32>,
    tpu.vector_store %arg9[%swap3A_70], %broadcast_in_dim3A_6 {strides = array<i32>} : memref<2176xf32, #tpu.memory_space<vmem>>, vector<16xf32>,
    %swap3A_72 = arith.constant 528 : index
    %swap3A_73 = tpu.vector_load %arg9[%swap3A_72] {strides = array<i32>} : memref<2176xf32, #tpu.memory_space<vmem>>, vector<16xf32>,
    tpu.vector_store %arg9[%swap3A_72], %broadcast_in_dim3A_6 {strides = array<i32>} : memref<2176xf32, #tpu.memory_space<vmem>>, vector<16xf32>,
    %swap3A_74 = arith.constant 544 : index
    %swap3A_75 = tpu.vector_load %arg9[%swap3A_74] {strides = array<i32>} : memref<2176xf32, #tpu.memory_space<vmem>>, vector<16xf32>,
    tpu.vector_store %arg9[%swap3A_74], %broadcast_in_dim3A_6 {strides = array<i32>} : memref<2176xf32, #tpu.memory_space<vmem>>, vector<16xf32>,
    %swap3A_76 = arith.constant 560 : index
    %swap3A_77 = tpu.vector_load %arg9[%swap3A_76] {strides = array<i32>} : memref<2176xf32, #tpu.memory_space<vmem>>, vector<16xf32>,
    tpu.vector_store %arg9[%swap3A_76], %broadcast_in_dim3A_6 {strides = array<i32>} : memref<2176xf32, #tpu.memory_space<vmem>>, vector<16xf32>,
    %swap3A_78 = arith.constant 576 : index
    %swap3A_79 = tpu.vector_load %arg9[%swap3A_78] {strides = array<i32>} : memref<2176xf32, #tpu.memory_space<vmem>>, vector<16xf32>,
    tpu.vector_store %arg9[%swap3A_78], %broadcast_in_dim3A_6 {strides = array<i32>} : memref<2176xf32, #tpu.memory_space<vmem>>, vector<16xf32>,
    %swap3A_80 = arith.constant 592 : index
    %swap3A_81 = tpu.vector_load %arg9[%swap3A_80] {strides = array<i32>} : memref<2176xf32, #tpu.memory_space<vmem>>, vector<16xf32>,
    tpu.vector_store %arg9[%swap3A_80], %broadcast_in_dim3A_6 {strides = array<i32>} : memref<2176xf32, #tpu.memory_space<vmem>>, vector<16xf32>,
    %swap3A_82 = arith.constant 608 : index
    %swap3A_83 = tpu.vector_load %arg9[%swap3A_82] {strides = array<i32>} : memref<2176xf32, #tpu.memory_space<vmem>>, vector<16xf32>,
    tpu.vector_store %arg9[%swap3A_82], %broadcast_in_dim3A_6 {strides = array<i32>} : memref<2176xf32, #tpu.memory_space<vmem>>, vector<16xf32>,
    %swap3A_84 = arith.constant 624 : index
    %swap3A_85 = tpu.vector_load %arg9[%swap3A_84] {strides = array<i32>} : memref<2176xf32, #tpu.memory_space<vmem>>, vector<16xf32>,
    tpu.vector_store %arg9[%swap3A_84], %broadcast_in_dim3A_6 {strides = array<i32>} : memref<2176xf32, #tpu.memory_space<vmem>>, vector<16xf32>,
    %swap3A_86 = arith.constant 640 : index
    %swap3A_87 = tpu.vector_load %arg9[%swap3A_86] {strides = array<i32>} : memref<2176xf32, #tpu.memory_space<vmem>>, vector<16xf32>,
    tpu.vector_store %arg9[%swap3A_86], %broadcast_in_dim3A_6 {strides = array<i32>} : memref<2176xf32, #tpu.memory_space<vmem>>, vector<16xf32>,
    %swap3A_88 = arith.constant 656 : index
    %swap3A_89 = tpu.vector_load %arg9[%swap3A_88] {strides = array<i32>} : memref<2176xf32, #tpu.memory_space<vmem>>, vector<16xf32>,
    tpu.vector_store %arg9[%swap3A_88], %broadcast_in_dim3A_6 {strides = array<i32>} : memref<2176xf32, #tpu.memory_space<vmem>>, vector<16xf32>,
    %swap3A_90 = arith.constant 672 : index
    %swap3A_91 = tpu.vector_load %arg9[%swap3A_90] {strides = array<i32>} : memref<2176xf32, #tpu.memory_space<vmem>>, vector<16xf32>,
    tpu.vector_store %arg9[%swap3A_90], %broadcast_in_dim3A_6 {strides = array<i32>} : memref<2176xf32, #tpu.memory_space<vmem>>, vector<16xf32>,
    %swap3A_92 = arith.constant 688 : index
    %swap3A_93 = tpu.vector_load %arg9[%swap3A_92] {strides = array<i32>} : memref<2176xf32, #tpu.memory_space<vmem>>, vector<16xf32>,
    tpu.vector_store %arg9[%swap3A_92], %broadcast_in_dim3A_6 {strides = array<i32>} : memref<2176xf32, #tpu.memory_space<vmem>>, vector<16xf32>,
    %swap3A_94 = arith.constant 704 : index
    %swap3A_95 = tpu.vector_load %arg9[%swap3A_94] {strides = array<i32>} : memref<2176xf32, #tpu.memory_space<vmem>>, vector<16xf32>,
    tpu.vector_store %arg9[%swap3A_94], %broadcast_in_dim3A_6 {strides = array<i32>} : memref<2176xf32, #tpu.memory_space<vmem>>, vector<16xf32>,
    %swap3A_96 = arith.constant 720 : index
    %swap3A_97 = tpu.vector_load %arg9[%swap3A_96] {strides = array<i32>} : memref<2176xf32, #tpu.memory_space<vmem>>, vector<16xf32>,
    tpu.vector_store %arg9[%swap3A_96], %broadcast_in_dim3A_6 {strides = array<i32>} : memref<2176xf32, #tpu.memory_space<vmem>>, vector<16xf32>,
    %swap3A_98 = arith.constant 736 : index
    %swap3A_99 = tpu.vector_load %arg9[%swap3A_98] {strides = array<i32>} : memref<2176xf32, #tpu.memory_space<vmem>>, vector<16xf32>,
    tpu.vector_store %arg9[%swap3A_98], %broadcast_in_dim3A_6 {strides = array<i32>} : memref<2176xf32, #tpu.memory_space<vmem>>, vector<16xf32>,
    %swap3A_100 = arith.constant 752 : index
    %swap3A_101 = tpu.vector_load %arg9[%swap3A_100] {strides = array<i32>} : memref<2176xf32, #tpu.memory_space<vmem>>, vector<16xf32>,
    tpu.vector_store %arg9[%swap3A_100], %broadcast_in_dim3A_6 {strides = array<i32>} : memref<2176xf32, #tpu.memory_space<vmem>>, vector<16xf32>,
    %swap3A_102 = arith.constant 768 : index
    %swap3A_103 = tpu.vector_load %arg9[%swap3A_102] {strides = array<i32>} : memref<2176xf32, #tpu.memory_space<vmem>>, vector<16xf32>,
    tpu.vector_store %arg9[%swap3A_102], %broadcast_in_dim3A_6 {strides = array<i32>} : memref<2176xf32, #tpu.memory_space<vmem>>, vector<16xf32>,
    %swap3A_104 = arith.constant 784 : index
    %swap3A_105 = tpu.vector_load %arg9[%swap3A_104] {strides = array<i32>} : memref<2176xf32, #tpu.memory_space<vmem>>, vector<16xf32>,
    tpu.vector_store %arg9[%swap3A_104], %broadcast_in_dim3A_6 {strides = array<i32>} : memref<2176xf32, #tpu.memory_space<vmem>>, vector<16xf32>,
    %swap3A_106 = arith.constant 800 : index
    %swap3A_107 = tpu.vector_load %arg9[%swap3A_106] {strides = array<i32>} : memref<2176xf32, #tpu.memory_space<vmem>>, vector<16xf32>,
    tpu.vector_store %arg9[%swap3A_106], %broadcast_in_dim3A_6 {strides = array<i32>} : memref<2176xf32, #tpu.memory_space<vmem>>, vector<16xf32>,
    %swap3A_108 = arith.constant 816 : index
    %swap3A_109 = tpu.vector_load %arg9[%swap3A_108] {strides = array<i32>} : memref<2176xf32, #tpu.memory_space<vmem>>, vector<16xf32>,
    tpu.vector_store %arg9[%swap3A_108], %broadcast_in_dim3A_6 {strides = array<i32>} : memref<2176xf32, #tpu.memory_space<vmem>>, vector<16xf32>,
    %swap3A_110 = arith.constant 832 : index
    %swap3A_111 = tpu.vector_load %arg9[%swap3A_110] {strides = array<i32>} : memref<2176xf32, #tpu.memory_space<vmem>>, vector<16xf32>,
    tpu.vector_store %arg9[%swap3A_110], %broadcast_in_dim3A_6 {strides = array<i32>} : memref<2176xf32, #tpu.memory_space<vmem>>, vector<16xf32>,
    %swap3A_112 = arith.constant 848 : index
    %swap3A_113 = tpu.vector_load %arg9[%swap3A_112] {strides = array<i32>} : memref<2176xf32, #tpu.memory_space<vmem>>, vector<16xf32>,
    tpu.vector_store %arg9[%swap3A_112], %broadcast_in_dim3A_6 {strides = array<i32>} : memref<2176xf32, #tpu.memory_space<vmem>>, vector<16xf32>,
    %swap3A_114 = arith.constant 864 : index
    %swap3A_115 = tpu.vector_load %arg9[%swap3A_114] {strides = array<i32>} : memref<2176xf32, #tpu.memory_space<vmem>>, vector<16xf32>,
    tpu.vector_store %arg9[%swap3A_114], %broadcast_in_dim3A_6 {strides = array<i32>} : memref<2176xf32, #tpu.memory_space<vmem>>, vector<16xf32>,
    %swap3A_116 = arith.constant 880 : index
    %swap3A_117 = tpu.vector_load %arg9[%swap3A_116] {strides = array<i32>} : memref<2176xf32, #tpu.memory_space<vmem>>, vector<16xf32>,
    tpu.vector_store %arg9[%swap3A_116], %broadcast_in_dim3A_6 {strides = array<i32>} : memref<2176xf32, #tpu.memory_space<vmem>>, vector<16xf32>,
    %swap3A_118 = arith.constant 896 : index
    %swap3A_119 = tpu.vector_load %arg9[%swap3A_118] {strides = array<i32>} : memref<2176xf32, #tpu.memory_space<vmem>>, vector<16xf32>,
    tpu.vector_store %arg9[%swap3A_118], %broadcast_in_dim3A_6 {strides = array<i32>} : memref<2176xf32, #tpu.memory_space<vmem>>, vector<16xf32>,
    %swap3A_120 = arith.constant 912 : index
    %swap3A_121 = tpu.vector_load %arg9[%swap3A_120] {strides = array<i32>} : memref<2176xf32, #tpu.memory_space<vmem>>, vector<16xf32>,
    tpu.vector_store %arg9[%swap3A_120], %broadcast_in_dim3A_6 {strides = array<i32>} : memref<2176xf32, #tpu.memory_space<vmem>>, vector<16xf32>,
    %swap3A_122 = arith.constant 928 : index
    %swap3A_123 = tpu.vector_load %arg9[%swap3A_122] {strides = array<i32>} : memref<2176xf32, #tpu.memory_space<vmem>>, vector<16xf32>,
    tpu.vector_store %arg9[%swap3A_122], %broadcast_in_dim3A_6 {strides = array<i32>} : memref<2176xf32, #tpu.memory_space<vmem>>, vector<16xf32>,
    %swap3A_124 = arith.constant 944 : index
    %swap3A_125 = tpu.vector_load %arg9[%swap3A_124] {strides = array<i32>} : memref<2176xf32, #tpu.memory_space<vmem>>, vector<16xf32>,
    tpu.vector_store %arg9[%swap3A_124], %broadcast_in_dim3A_6 {strides = array<i32>} : memref<2176xf32, #tpu.memory_space<vmem>>, vector<16xf32>,
    %swap3A_126 = arith.constant 960 : index
    %swap3A_127 = tpu.vector_load %arg9[%swap3A_126] {strides = array<i32>} : memref<2176xf32, #tpu.memory_space<vmem>>, vector<16xf32>,
    tpu.vector_store %arg9[%swap3A_126], %broadcast_in_dim3A_6 {strides = array<i32>} : memref<2176xf32, #tpu.memory_space<vmem>>, vector<16xf32>,
    %swap3A_128 = arith.constant 976 : index
    %swap3A_129 = tpu.vector_load %arg9[%swap3A_128] {strides = array<i32>} : memref<2176xf32, #tpu.memory_space<vmem>>, vector<16xf32>,
    tpu.vector_store %arg9[%swap3A_128], %broadcast_in_dim3A_6 {strides = array<i32>} : memref<2176xf32, #tpu.memory_space<vmem>>, vector<16xf32>,
    %swap3A_130 = arith.constant 992 : index
    %swap3A_131 = tpu.vector_load %arg9[%swap3A_130] {strides = array<i32>} : memref<2176xf32, #tpu.memory_space<vmem>>, vector<16xf32>,
    tpu.vector_store %arg9[%swap3A_130], %broadcast_in_dim3A_6 {strides = array<i32>} : memref<2176xf32, #tpu.memory_space<vmem>>, vector<16xf32>,
    %swap3A_132 = arith.constant 1008 : index
    %swap3A_133 = tpu.vector_load %arg9[%swap3A_132] {strides = array<i32>} : memref<2176xf32, #tpu.memory_space<vmem>>, vector<16xf32>,
    tpu.vector_store %arg9[%swap3A_132], %broadcast_in_dim3A_6 {strides = array<i32>} : memref<2176xf32, #tpu.memory_space<vmem>>, vector<16xf32>,
    %swap3A_134 = arith.constant 1024 : index
    %swap3A_135 = tpu.vector_load %arg9[%swap3A_134] {strides = array<i32>} : memref<2176xf32, #tpu.memory_space<vmem>>, vector<16xf32>,
    tpu.vector_store %arg9[%swap3A_134], %broadcast_in_dim3A_6 {strides = array<i32>} : memref<2176xf32, #tpu.memory_space<vmem>>, vector<16xf32>,
    %swap3A_136 = arith.constant 1040 : index
    %swap3A_137 = tpu.vector_load %arg9[%swap3A_136] {strides = array<i32>} : memref<2176xf32, #tpu.memory_space<vmem>>, vector<16xf32>,
    tpu.vector_store %arg9[%swap3A_136], %broadcast_in_dim3A_6 {strides = array<i32>} : memref<2176xf32, #tpu.memory_space<vmem>>, vector<16xf32>,
    %swap3A_138 = arith.constant 1056 : index
    %swap3A_139 = tpu.vector_load %arg9[%swap3A_138] {strides = array<i32>} : memref<2176xf32, #tpu.memory_space<vmem>>, vector<16xf32>,
    tpu.vector_store %arg9[%swap3A_138], %broadcast_in_dim3A_6 {strides = array<i32>} : memref<2176xf32, #tpu.memory_space<vmem>>, vector<16xf32>,
    %swap3A_140 = arith.constant 1072 : index
    %swap3A_141 = tpu.vector_load %arg9[%swap3A_140] {strides = array<i32>} : memref<2176xf32, #tpu.memory_space<vmem>>, vector<16xf32>,
    tpu.vector_store %arg9[%swap3A_140], %broadcast_in_dim3A_6 {strides = array<i32>} : memref<2176xf32, #tpu.memory_space<vmem>>, vector<16xf32>,
    %swap3A_142 = arith.constant 1088 : index
    %swap3A_143 = tpu.vector_load %arg9[%swap3A_142] {strides = array<i32>} : memref<2176xf32, #tpu.memory_space<vmem>>, vector<16xf32>,
    tpu.vector_store %arg9[%swap3A_142], %broadcast_in_dim3A_6 {strides = array<i32>} : memref<2176xf32, #tpu.memory_space<vmem>>, vector<16xf32>,
    %swap3A_144 = arith.constant 1104 : index
    %swap3A_145 = tpu.vector_load %arg9[%swap3A_144] {strides = array<i32>} : memref<2176xf32, #tpu.memory_space<vmem>>, vector<16xf32>,
    tpu.vector_store %arg9[%swap3A_144], %broadcast_in_dim3A_6 {strides = array<i32>} : memref<2176xf32, #tpu.memory_space<vmem>>, vector<16xf32>,
    %swap3A_146 = arith.constant 1120 : index
    %swap3A_147 = tpu.vector_load %arg9[%swap3A_146] {strides = array<i32>} : memref<2176xf32, #tpu.memory_space<vmem>>, vector<16xf32>,
    tpu.vector_store %arg9[%swap3A_146], %broadcast_in_dim3A_6 {strides = array<i32>} : memref<2176xf32, #tpu.memory_space<vmem>>, vector<16xf32>,
    %swap3A_148 = arith.constant 1136 : index
    %swap3A_149 = tpu.vector_load %arg9[%swap3A_148] {strides = array<i32>} : memref<2176xf32, #tpu.memory_space<vmem>>, vector<16xf32>,
    tpu.vector_store %arg9[%swap3A_148], %broadcast_in_dim3A_6 {strides = array<i32>} : memref<2176xf32, #tpu.memory_space<vmem>>, vector<16xf32>,
    %swap3A_150 = arith.constant 1152 : index
    %swap3A_151 = tpu.vector_load %arg9[%swap3A_150] {strides = array<i32>} : memref<2176xf32, #tpu.memory_space<vmem>>, vector<16xf32>,
    tpu.vector_store %arg9[%swap3A_150], %broadcast_in_dim3A_6 {strides = array<i32>} : memref<2176xf32, #tpu.memory_space<vmem>>, vector<16xf32>,
    %swap3A_152 = arith.constant 1168 : index
    %swap3A_153 = tpu.vector_load %arg9[%swap3A_152] {strides = array<i32>} : memref<2176xf32, #tpu.memory_space<vmem>>, vector<16xf32>,
    tpu.vector_store %arg9[%swap3A_152], %broadcast_in_dim3A_6 {strides = array<i32>} : memref<2176xf32, #tpu.memory_space<vmem>>, vector<16xf32>,
    %swap3A_154 = arith.constant 1184 : index
    %swap3A_155 = tpu.vector_load %arg9[%swap3A_154] {strides = array<i32>} : memref<2176xf32, #tpu.memory_space<vmem>>, vector<16xf32>,
    tpu.vector_store %arg9[%swap3A_154], %broadcast_in_dim3A_6 {strides = array<i32>} : memref<2176xf32, #tpu.memory_space<vmem>>, vector<16xf32>,
    %swap3A_156 = arith.constant 1200 : index
    %swap3A_157 = tpu.vector_load %arg9[%swap3A_156] {strides = array<i32>} : memref<2176xf32, #tpu.memory_space<vmem>>, vector<16xf32>,
    tpu.vector_store %arg9[%swap3A_156], %broadcast_in_dim3A_6 {strides = array<i32>} : memref<2176xf32, #tpu.memory_space<vmem>>, vector<16xf32>,
    %swap3A_158 = arith.constant 1216 : index
    %swap3A_159 = tpu.vector_load %arg9[%swap3A_158] {strides = array<i32>} : memref<2176xf32, #tpu.memory_space<vmem>>, vector<16xf32>,
    tpu.vector_store %arg9[%swap3A_158], %broadcast_in_dim3A_6 {strides = array<i32>} : memref<2176xf32, #tpu.memory_space<vmem>>, vector<16xf32>,
    %swap3A_160 = arith.constant 1232 : index
    %swap3A_161 = tpu.vector_load %arg9[%swap3A_160] {strides = array<i32>} : memref<2176xf32, #tpu.memory_space<vmem>>, vector<16xf32>,
    tpu.vector_store %arg9[%swap3A_160], %broadcast_in_dim3A_6 {strides = array<i32>} : memref<2176xf32, #tpu.memory_space<vmem>>, vector<16xf32>,
    %swap3A_162 = arith.constant 1248 : index
    %swap3A_163 = tpu.vector_load %arg9[%swap3A_162] {strides = array<i32>} : memref<2176xf32, #tpu.memory_space<vmem>>, vector<16xf32>,
    tpu.vector_store %arg9[%swap3A_162], %broadcast_in_dim3A_6 {strides = array<i32>} : memref<2176xf32, #tpu.memory_space<vmem>>, vector<16xf32>,
    %swap3A_164 = arith.constant 1264 : index
    %swap3A_165 = tpu.vector_load %arg9[%swap3A_164] {strides = array<i32>} : memref<2176xf32, #tpu.memory_space<vmem>>, vector<16xf32>,
    tpu.vector_store %arg9[%swap3A_164], %broadcast_in_dim3A_6 {strides = array<i32>} : memref<2176xf32, #tpu.memory_space<vmem>>, vector<16xf32>,
    %swap3A_166 = arith.constant 1280 : index
    %swap3A_167 = tpu.vector_load %arg9[%swap3A_166] {strides = array<i32>} : memref<2176xf32, #tpu.memory_space<vmem>>, vector<16xf32>,
    tpu.vector_store %arg9[%swap3A_166], %broadcast_in_dim3A_6 {strides = array<i32>} : memref<2176xf32, #tpu.memory_space<vmem>>, vector<16xf32>,
    %swap3A_168 = arith.constant 1296 : index
    %swap3A_169 = tpu.vector_load %arg9[%swap3A_168] {strides = array<i32>} : memref<2176xf32, #tpu.memory_space<vmem>>, vector<16xf32>,
    tpu.vector_store %arg9[%swap3A_168], %broadcast_in_dim3A_6 {strides = array<i32>} : memref<2176xf32, #tpu.memory_space<vmem>>, vector<16xf32>,
    %swap3A_170 = arith.constant 1312 : index
    %swap3A_171 = tpu.vector_load %arg9[%swap3A_170] {strides = array<i32>} : memref<2176xf32, #tpu.memory_space<vmem>>, vector<16xf32>,
    tpu.vector_store %arg9[%swap3A_170], %broadcast_in_dim3A_6 {strides = array<i32>} : memref<2176xf32, #tpu.memory_space<vmem>>, vector<16xf32>,
    %swap3A_172 = arith.constant 1328 : index
    %swap3A_173 = tpu.vector_load %arg9[%swap3A_172] {strides = array<i32>} : memref<2176xf32, #tpu.memory_space<vmem>>, vector<16xf32>,
    tpu.vector_store %arg9[%swap3A_172], %broadcast_in_dim3A_6 {strides = array<i32>} : memref<2176xf32, #tpu.memory_space<vmem>>, vector<16xf32>,
    %swap3A_174 = arith.constant 1344 : index
    %swap3A_175 = tpu.vector_load %arg9[%swap3A_174] {strides = array<i32>} : memref<2176xf32, #tpu.memory_space<vmem>>, vector<16xf32>,
    tpu.vector_store %arg9[%swap3A_174], %broadcast_in_dim3A_6 {strides = array<i32>} : memref<2176xf32, #tpu.memory_space<vmem>>, vector<16xf32>,
    %swap3A_176 = arith.constant 1360 : index
    %swap3A_177 = tpu.vector_load %arg9[%swap3A_176] {strides = array<i32>} : memref<2176xf32, #tpu.memory_space<vmem>>, vector<16xf32>,
    tpu.vector_store %arg9[%swap3A_176], %broadcast_in_dim3A_6 {strides = array<i32>} : memref<2176xf32, #tpu.memory_space<vmem>>, vector<16xf32>,
    %swap3A_178 = arith.constant 1376 : index
    %swap3A_179 = tpu.vector_load %arg9[%swap3A_178] {strides = array<i32>} : memref<2176xf32, #tpu.memory_space<vmem>>, vector<16xf32>,
    tpu.vector_store %arg9[%swap3A_178], %broadcast_in_dim3A_6 {strides = array<i32>} : memref<2176xf32, #tpu.memory_space<vmem>>, vector<16xf32>,
    %swap3A_180 = arith.constant 1392 : index
    %swap3A_181 = tpu.vector_load %arg9[%swap3A_180] {strides = array<i32>} : memref<2176xf32, #tpu.memory_space<vmem>>, vector<16xf32>,
    tpu.vector_store %arg9[%swap3A_180], %broadcast_in_dim3A_6 {strides = array<i32>} : memref<2176xf32, #tpu.memory_space<vmem>>, vector<16xf32>,
    %swap3A_182 = arith.constant 1408 : index
    %swap3A_183 = tpu.vector_load %arg9[%swap3A_182] {strides = array<i32>} : memref<2176xf32, #tpu.memory_space<vmem>>, vector<16xf32>,
    tpu.vector_store %arg9[%swap3A_182], %broadcast_in_dim3A_6 {strides = array<i32>} : memref<2176xf32, #tpu.memory_space<vmem>>, vector<16xf32>,
    %swap3A_184 = arith.constant 1424 : index
    %swap3A_185 = tpu.vector_load %arg9[%swap3A_184] {strides = array<i32>} : memref<2176xf32, #tpu.memory_space<vmem>>, vector<16xf32>,
    tpu.vector_store %arg9[%swap3A_184], %broadcast_in_dim3A_6 {strides = array<i32>} : memref<2176xf32, #tpu.memory_space<vmem>>, vector<16xf32>,
    %swap3A_186 = arith.constant 1440 : index
    %swap3A_187 = tpu.vector_load %arg9[%swap3A_186] {strides = array<i32>} : memref<2176xf32, #tpu.memory_space<vmem>>, vector<16xf32>,
    tpu.vector_store %arg9[%swap3A_186], %broadcast_in_dim3A_6 {strides = array<i32>} : memref<2176xf32, #tpu.memory_space<vmem>>, vector<16xf32>,
    %swap3A_188 = arith.constant 1456 : index
    %swap3A_189 = tpu.vector_load %arg9[%swap3A_188] {strides = array<i32>} : memref<2176xf32, #tpu.memory_space<vmem>>, vector<16xf32>,
    tpu.vector_store %arg9[%swap3A_188], %broadcast_in_dim3A_6 {strides = array<i32>} : memref<2176xf32, #tpu.memory_space<vmem>>, vector<16xf32>,
    %swap3A_190 = arith.constant 1472 : index
    %swap3A_191 = tpu.vector_load %arg9[%swap3A_190] {strides = array<i32>} : memref<2176xf32, #tpu.memory_space<vmem>>, vector<16xf32>,
    tpu.vector_store %arg9[%swap3A_190], %broadcast_in_dim3A_6 {strides = array<i32>} : memref<2176xf32, #tpu.memory_space<vmem>>, vector<16xf32>,
    %swap3A_192 = arith.constant 1488 : index
    %swap3A_193 = tpu.vector_load %arg9[%swap3A_192] {strides = array<i32>} : memref<2176xf32, #tpu.memory_space<vmem>>, vector<16xf32>,
    tpu.vector_store %arg9[%swap3A_192], %broadcast_in_dim3A_6 {strides = array<i32>} : memref<2176xf32, #tpu.memory_space<vmem>>, vector<16xf32>,
    %swap3A_194 = arith.constant 1504 : index
    %swap3A_195 = tpu.vector_load %arg9[%swap3A_194] {strides = array<i32>} : memref<2176xf32, #tpu.memory_space<vmem>>, vector<16xf32>,
    tpu.vector_store %arg9[%swap3A_194], %broadcast_in_dim3A_6 {strides = array<i32>} : memref<2176xf32, #tpu.memory_space<vmem>>, vector<16xf32>,
    %swap3A_196 = arith.constant 1520 : index
    %swap3A_197 = tpu.vector_load %arg9[%swap3A_196] {strides = array<i32>} : memref<2176xf32, #tpu.memory_space<vmem>>, vector<16xf32>,
    tpu.vector_store %arg9[%swap3A_196], %broadcast_in_dim3A_6 {strides = array<i32>} : memref<2176xf32, #tpu.memory_space<vmem>>, vector<16xf32>,
    %swap3A_198 = arith.constant 1536 : index
    %swap3A_199 = tpu.vector_load %arg9[%swap3A_198] {strides = array<i32>} : memref<2176xf32, #tpu.memory_space<vmem>>, vector<16xf32>,
    tpu.vector_store %arg9[%swap3A_198], %broadcast_in_dim3A_6 {strides = array<i32>} : memref<2176xf32, #tpu.memory_space<vmem>>, vector<16xf32>,
    %swap3A_200 = arith.constant 1552 : index
    %swap3A_201 = tpu.vector_load %arg9[%swap3A_200] {strides = array<i32>} : memref<2176xf32, #tpu.memory_space<vmem>>, vector<16xf32>,
    tpu.vector_store %arg9[%swap3A_200], %broadcast_in_dim3A_6 {strides = array<i32>} : memref<2176xf32, #tpu.memory_space<vmem>>, vector<16xf32>,
    %swap3A_202 = arith.constant 1568 : index
    %swap3A_203 = tpu.vector_load %arg9[%swap3A_202] {strides = array<i32>} : memref<2176xf32, #tpu.memory_space<vmem>>, vector<16xf32>,
    tpu.vector_store %arg9[%swap3A_202], %broadcast_in_dim3A_6 {strides = array<i32>} : memref<2176xf32, #tpu.memory_space<vmem>>, vector<16xf32>,
    %swap3A_204 = arith.constant 1584 : index
    %swap3A_205 = tpu.vector_load %arg9[%swap3A_204] {strides = array<i32>} : memref<2176xf32, #tpu.memory_space<vmem>>, vector<16xf32>,
    tpu.vector_store %arg9[%swap3A_204], %broadcast_in_dim3A_6 {strides = array<i32>} : memref<2176xf32, #tpu.memory_space<vmem>>, vector<16xf32>,
    %swap3A_206 = arith.constant 1600 : index
    %swap3A_207 = tpu.vector_load %arg9[%swap3A_206] {strides = array<i32>} : memref<2176xf32, #tpu.memory_space<vmem>>, vector<16xf32>,
    tpu.vector_store %arg9[%swap3A_206], %broadcast_in_dim3A_6 {strides = array<i32>} : memref<2176xf32, #tpu.memory_space<vmem>>, vector<16xf32>,
    %swap3A_208 = arith.constant 1616 : index
    %swap3A_209 = tpu.vector_load %arg9[%swap3A_208] {strides = array<i32>} : memref<2176xf32, #tpu.memory_space<vmem>>, vector<16xf32>,
    tpu.vector_store %arg9[%swap3A_208], %broadcast_in_dim3A_6 {strides = array<i32>} : memref<2176xf32, #tpu.memory_space<vmem>>, vector<16xf32>,
    %swap3A_210 = arith.constant 1632 : index
    %swap3A_211 = tpu.vector_load %arg9[%swap3A_210] {strides = array<i32>} : memref<2176xf32, #tpu.memory_space<vmem>>, vector<16xf32>,
    tpu.vector_store %arg9[%swap3A_210], %broadcast_in_dim3A_6 {strides = array<i32>} : memref<2176xf32, #tpu.memory_space<vmem>>, vector<16xf32>,
    %swap3A_212 = arith.constant 1648 : index
    %swap3A_213 = tpu.vector_load %arg9[%swap3A_212] {strides = array<i32>} : memref<2176xf32, #tpu.memory_space<vmem>>, vector<16xf32>,
    tpu.vector_store %arg9[%swap3A_212], %broadcast_in_dim3A_6 {strides = array<i32>} : memref<2176xf32, #tpu.memory_space<vmem>>, vector<16xf32>,
    %swap3A_214 = arith.constant 1664 : index
    %swap3A_215 = tpu.vector_load %arg9[%swap3A_214] {strides = array<i32>} : memref<2176xf32, #tpu.memory_space<vmem>>, vector<16xf32>,
    tpu.vector_store %arg9[%swap3A_214], %broadcast_in_dim3A_6 {strides = array<i32>} : memref<2176xf32, #tpu.memory_space<vmem>>, vector<16xf32>,
    %swap3A_216 = arith.constant 1680 : index
    %swap3A_217 = tpu.vector_load %arg9[%swap3A_216] {strides = array<i32>} : memref<2176xf32, #tpu.memory_space<vmem>>, vector<16xf32>,
    tpu.vector_store %arg9[%swap3A_216], %broadcast_in_dim3A_6 {strides = array<i32>} : memref<2176xf32, #tpu.memory_space<vmem>>, vector<16xf32>,
    %swap3A_218 = arith.constant 1696 : index
    %swap3A_219 = tpu.vector_load %arg9[%swap3A_218] {strides = array<i32>} : memref<2176xf32, #tpu.memory_space<vmem>>, vector<16xf32>,
    tpu.vector_store %arg9[%swap3A_218], %broadcast_in_dim3A_6 {strides = array<i32>} : memref<2176xf32, #tpu.memory_space<vmem>>, vector<16xf32>,
    %swap3A_220 = arith.constant 1712 : index
    %swap3A_221 = tpu.vector_load %arg9[%swap3A_220] {strides = array<i32>} : memref<2176xf32, #tpu.memory_space<vmem>>, vector<16xf32>,
    tpu.vector_store %arg9[%swap3A_220], %broadcast_in_dim3A_6 {strides = array<i32>} : memref<2176xf32, #tpu.memory_space<vmem>>, vector<16xf32>,
    %swap3A_222 = arith.constant 1728 : index
    %swap3A_223 = tpu.vector_load %arg9[%swap3A_222] {strides = array<i32>} : memref<2176xf32, #tpu.memory_space<vmem>>, vector<16xf32>,
    tpu.vector_store %arg9[%swap3A_222], %broadcast_in_dim3A_6 {strides = array<i32>} : memref<2176xf32, #tpu.memory_space<vmem>>, vector<16xf32>,
    %swap3A_224 = arith.constant 1744 : index
    %swap3A_225 = tpu.vector_load %arg9[%swap3A_224] {strides = array<i32>} : memref<2176xf32, #tpu.memory_space<vmem>>, vector<16xf32>,
    tpu.vector_store %arg9[%swap3A_224], %broadcast_in_dim3A_6 {strides = array<i32>} : memref<2176xf32, #tpu.memory_space<vmem>>, vector<16xf32>,
    %swap3A_226 = arith.constant 1760 : index
    %swap3A_227 = tpu.vector_load %arg9[%swap3A_226] {strides = array<i32>} : memref<2176xf32, #tpu.memory_space<vmem>>, vector<16xf32>,
    tpu.vector_store %arg9[%swap3A_226], %broadcast_in_dim3A_6 {strides = array<i32>} : memref<2176xf32, #tpu.memory_space<vmem>>, vector<16xf32>,
    %swap3A_228 = arith.constant 1776 : index
    %swap3A_229 = tpu.vector_load %arg9[%swap3A_228] {strides = array<i32>} : memref<2176xf32, #tpu.memory_space<vmem>>, vector<16xf32>,
    tpu.vector_store %arg9[%swap3A_228], %broadcast_in_dim3A_6 {strides = array<i32>} : memref<2176xf32, #tpu.memory_space<vmem>>, vector<16xf32>,
    %swap3A_230 = arith.constant 1792 : index
    %swap3A_231 = tpu.vector_load %arg9[%swap3A_230] {strides = array<i32>} : memref<2176xf32, #tpu.memory_space<vmem>>, vector<16xf32>,
    tpu.vector_store %arg9[%swap3A_230], %broadcast_in_dim3A_6 {strides = array<i32>} : memref<2176xf32, #tpu.memory_space<vmem>>, vector<16xf32>,
    %swap3A_232 = arith.constant 1808 : index
    %swap3A_233 = tpu.vector_load %arg9[%swap3A_232] {strides = array<i32>} : memref<2176xf32, #tpu.memory_space<vmem>>, vector<16xf32>,
    tpu.vector_store %arg9[%swap3A_232], %broadcast_in_dim3A_6 {strides = array<i32>} : memref<2176xf32, #tpu.memory_space<vmem>>, vector<16xf32>,
    %swap3A_234 = arith.constant 1824 : index
    %swap3A_235 = tpu.vector_load %arg9[%swap3A_234] {strides = array<i32>} : memref<2176xf32, #tpu.memory_space<vmem>>, vector<16xf32>,
    tpu.vector_store %arg9[%swap3A_234], %broadcast_in_dim3A_6 {strides = array<i32>} : memref<2176xf32, #tpu.memory_space<vmem>>, vector<16xf32>,
    %swap3A_236 = arith.constant 1840 : index
    %swap3A_237 = tpu.vector_load %arg9[%swap3A_236] {strides = array<i32>} : memref<2176xf32, #tpu.memory_space<vmem>>, vector<16xf32>,
    tpu.vector_store %arg9[%swap3A_236], %broadcast_in_dim3A_6 {strides = array<i32>} : memref<2176xf32, #tpu.memory_space<vmem>>, vector<16xf32>,
    %swap3A_238 = arith.constant 1856 : index
    %swap3A_239 = tpu.vector_load %arg9[%swap3A_238] {strides = array<i32>} : memref<2176xf32, #tpu.memory_space<vmem>>, vector<16xf32>,
    tpu.vector_store %arg9[%swap3A_238], %broadcast_in_dim3A_6 {strides = array<i32>} : memref<2176xf32, #tpu.memory_space<vmem>>, vector<16xf32>,
    %swap3A_240 = arith.constant 1872 : index
    %swap3A_241 = tpu.vector_load %arg9[%swap3A_240] {strides = array<i32>} : memref<2176xf32, #tpu.memory_space<vmem>>, vector<16xf32>,
    tpu.vector_store %arg9[%swap3A_240], %broadcast_in_dim3A_6 {strides = array<i32>} : memref<2176xf32, #tpu.memory_space<vmem>>, vector<16xf32>,
    %swap3A_242 = arith.constant 1888 : index
    %swap3A_243 = tpu.vector_load %arg9[%swap3A_242] {strides = array<i32>} : memref<2176xf32, #tpu.memory_space<vmem>>, vector<16xf32>,
    tpu.vector_store %arg9[%swap3A_242], %broadcast_in_dim3A_6 {strides = array<i32>} : memref<2176xf32, #tpu.memory_space<vmem>>, vector<16xf32>,
    %swap3A_244 = arith.constant 1904 : index
    %swap3A_245 = tpu.vector_load %arg9[%swap3A_244] {strides = array<i32>} : memref<2176xf32, #tpu.memory_space<vmem>>, vector<16xf32>,
    tpu.vector_store %arg9[%swap3A_244], %broadcast_in_dim3A_6 {strides = array<i32>} : memref<2176xf32, #tpu.memory_space<vmem>>, vector<16xf32>,
    %swap3A_246 = arith.constant 1920 : index
    %swap3A_247 = tpu.vector_load %arg9[%swap3A_246] {strides = array<i32>} : memref<2176xf32, #tpu.memory_space<vmem>>, vector<16xf32>,
    tpu.vector_store %arg9[%swap3A_246], %broadcast_in_dim3A_6 {strides = array<i32>} : memref<2176xf32, #tpu.memory_space<vmem>>, vector<16xf32>,
    %swap3A_248 = arith.constant 1936 : index
    %swap3A_249 = tpu.vector_load %arg9[%swap3A_248] {strides = array<i32>} : memref<2176xf32, #tpu.memory_space<vmem>>, vector<16xf32>,
    tpu.vector_store %arg9[%swap3A_248], %broadcast_in_dim3A_6 {strides = array<i32>} : memref<2176xf32, #tpu.memory_space<vmem>>, vector<16xf32>,
    %swap3A_250 = arith.constant 1952 : index
    %swap3A_251 = tpu.vector_load %arg9[%swap3A_250] {strides = array<i32>} : memref<2176xf32, #tpu.memory_space<vmem>>, vector<16xf32>,
    tpu.vector_store %arg9[%swap3A_250], %broadcast_in_dim3A_6 {strides = array<i32>} : memref<2176xf32, #tpu.memory_space<vmem>>, vector<16xf32>,
    %swap3A_252 = arith.constant 1968 : index
    %swap3A_253 = tpu.vector_load %arg9[%swap3A_252] {strides = array<i32>} : memref<2176xf32, #tpu.memory_space<vmem>>, vector<16xf32>,
    tpu.vector_store %arg9[%swap3A_252], %broadcast_in_dim3A_6 {strides = array<i32>} : memref<2176xf32, #tpu.memory_space<vmem>>, vector<16xf32>,
    %swap3A_254 = arith.constant 1984 : index
    %swap3A_255 = tpu.vector_load %arg9[%swap3A_254] {strides = array<i32>} : memref<2176xf32, #tpu.memory_space<vmem>>, vector<16xf32>,
    tpu.vector_store %arg9[%swap3A_254], %broadcast_in_dim3A_6 {strides = array<i32>} : memref<2176xf32, #tpu.memory_space<vmem>>, vector<16xf32>,
    %swap3A_256 = arith.constant 2000 : index
    %swap3A_257 = tpu.vector_load %arg9[%swap3A_256] {strides = array<i32>} : memref<2176xf32, #tpu.memory_space<vmem>>, vector<16xf32>,
    tpu.vector_store %arg9[%swap3A_256], %broadcast_in_dim3A_6 {strides = array<i32>} : memref<2176xf32, #tpu.memory_space<vmem>>, vector<16xf32>,
    %swap3A_258 = arith.constant 2016 : index
    %swap3A_259 = tpu.vector_load %arg9[%swap3A_258] {strides = array<i32>} : memref<2176xf32, #tpu.memory_space<vmem>>, vector<16xf32>,
    tpu.vector_store %arg9[%swap3A_258], %broadcast_in_dim3A_6 {strides = array<i32>} : memref<2176xf32, #tpu.memory_space<vmem>>, vector<16xf32>,
    %swap3A_260 = arith.constant 2032 : index
    %swap3A_261 = tpu.vector_load %arg9[%swap3A_260] {strides = array<i32>} : memref<2176xf32, #tpu.memory_space<vmem>>, vector<16xf32>,
    tpu.vector_store %arg9[%swap3A_260], %broadcast_in_dim3A_6 {strides = array<i32>} : memref<2176xf32, #tpu.memory_space<vmem>>, vector<16xf32>,
    %swap3A_262 = arith.constant 2048 : index
    %swap3A_263 = tpu.vector_load %arg9[%swap3A_262] {strides = array<i32>} : memref<2176xf32, #tpu.memory_space<vmem>>, vector<16xf32>,
    tpu.vector_store %arg9[%swap3A_262], %broadcast_in_dim3A_6 {strides = array<i32>} : memref<2176xf32, #tpu.memory_space<vmem>>, vector<16xf32>,
    %swap3A_264 = arith.constant 2064 : index
    %swap3A_265 = tpu.vector_load %arg9[%swap3A_264] {strides = array<i32>} : memref<2176xf32, #tpu.memory_space<vmem>>, vector<16xf32>,
    tpu.vector_store %arg9[%swap3A_264], %broadcast_in_dim3A_6 {strides = array<i32>} : memref<2176xf32, #tpu.memory_space<vmem>>, vector<16xf32>,
    %swap3A_266 = arith.constant 2080 : index
    %swap3A_267 = tpu.vector_load %arg9[%swap3A_266] {strides = array<i32>} : memref<2176xf32, #tpu.memory_space<vmem>>, vector<16xf32>,
    tpu.vector_store %arg9[%swap3A_266], %broadcast_in_dim3A_6 {strides = array<i32>} : memref<2176xf32, #tpu.memory_space<vmem>>, vector<16xf32>,
    %swap3A_268 = arith.constant 2096 : index
    %swap3A_269 = tpu.vector_load %arg9[%swap3A_268] {strides = array<i32>} : memref<2176xf32, #tpu.memory_space<vmem>>, vector<16xf32>,
    tpu.vector_store %arg9[%swap3A_268], %broadcast_in_dim3A_6 {strides = array<i32>} : memref<2176xf32, #tpu.memory_space<vmem>>, vector<16xf32>,
    %swap3A_270 = arith.constant 2112 : index
    %swap3A_271 = tpu.vector_load %arg9[%swap3A_270] {strides = array<i32>} : memref<2176xf32, #tpu.memory_space<vmem>>, vector<16xf32>,
    tpu.vector_store %arg9[%swap3A_270], %broadcast_in_dim3A_6 {strides = array<i32>} : memref<2176xf32, #tpu.memory_space<vmem>>, vector<16xf32>,
    %swap3A_272 = arith.constant 2128 : index
    %swap3A_273 = tpu.vector_load %arg9[%swap3A_272] {strides = array<i32>} : memref<2176xf32, #tpu.memory_space<vmem>>, vector<16xf32>,
    tpu.vector_store %arg9[%swap3A_272], %broadcast_in_dim3A_6 {strides = array<i32>} : memref<2176xf32, #tpu.memory_space<vmem>>, vector<16xf32>,
    %swap3A_274 = arith.constant 2144 : index
    %swap3A_275 = tpu.vector_load %arg9[%swap3A_274] {strides = array<i32>} : memref<2176xf32, #tpu.memory_space<vmem>>, vector<16xf32>,
    tpu.vector_store %arg9[%swap3A_274], %broadcast_in_dim3A_6 {strides = array<i32>} : memref<2176xf32, #tpu.memory_space<vmem>>, vector<16xf32>,
    %swap3A_276 = arith.constant 2160 : index
    %swap3A_277 = tpu.vector_load %arg9[%swap3A_276] {strides = array<i32>} : memref<2176xf32, #tpu.memory_space<vmem>>, vector<16xf32>,
    tpu.vector_store %arg9[%swap3A_276], %broadcast_in_dim3A_6 {strides = array<i32>} : memref<2176xf32, #tpu.memory_space<vmem>>, vector<16xf32>,
    %dma_wait3A = tpu.memref_slice %arg2[%mul3A_0] : memref<4096xf32, #tpu.memory_space<hbm>> -> memref<256xf32, #tpu.memory_space<hbm>>
    %dma_wait3A_278 = tpu.memref_slice %arg2[%mul3A_0] : memref<4096xf32, #tpu.memory_space<hbm>> -> memref<256xf32, #tpu.memory_space<hbm>>
    tpu.wait_dma2 semaphore(%arg10 : memref<!tpu.dma_semaphore, #tpu.memory_space<semaphore_mem>>) src(%dma_wait3A_278 : memref<256xf32, #tpu.memory_space<hbm>>) dst(%arg6 : memref<256xf32, #tpu.memory_space<vmem>>)
    %dma_wait3A_279 = tpu.memref_slice %arg3[%mul3A_0] : memref<4096xf32, #tpu.memory_space<hbm>> -> memref<256xf32, #tpu.memory_space<hbm>>
    %dma_wait3A_280 = tpu.memref_slice %arg3[%mul3A_0] : memref<4096xf32, #tpu.memory_space<hbm>> -> memref<256xf32, #tpu.memory_space<hbm>>
    tpu.wait_dma2 semaphore(%arg10 : memref<!tpu.dma_semaphore, #tpu.memory_space<semaphore_mem>>) src(%dma_wait3A_280 : memref<256xf32, #tpu.memory_space<hbm>>) dst(%arg7 : memref<256xf32, #tpu.memory_space<vmem>>)
    %dma_wait3A_281 = tpu.memref_slice %arg4[%mul3A_0] : memref<4096xi32, #tpu.memory_space<hbm>> -> memref<256xi32, #tpu.memory_space<hbm>>
    %dma_wait3A_282 = tpu.memref_slice %arg4[%mul3A_0] : memref<4096xi32, #tpu.memory_space<hbm>> -> memref<256xi32, #tpu.memory_space<hbm>>
    tpu.wait_dma2 semaphore(%arg10 : memref<!tpu.dma_semaphore, #tpu.memory_space<semaphore_mem>>) src(%dma_wait3A_282 : memref<256xi32, #tpu.memory_space<hbm>>) dst(%arg8 : memref<256xi32, #tpu.memory_space<vmem>>)
    %get3A = arith.constant 0 : index
    %get3A_283 = tpu.vector_load %arg8[%get3A] {strides = array<i32>} : memref<256xi32, #tpu.memory_space<vmem>>, vector<16xi32>,
    %get3A_284 = arith.constant 0 : index
    %get3A_285 = tpu.vector_load %arg6[%get3A_284] {strides = array<i32>} : memref<256xf32, #tpu.memory_space<vmem>>, vector<16xf32>,
    %exp3A = math.exp %get3A_285 : vector<16xf32>
    tpu.vector_store_idx %arg9[%get3A_283], %exp3A {add = true} : memref<2176xf32, #tpu.memory_space<vmem>>[vector<16xi32>], vector<16xf32>,
    %add3A = arith.constant 1024 : i32
    %add3A_286 = vector.broadcast %add3A : i32 to vector<16xi32>
    %add3A_287 = arith.addi %get3A_283, %add3A_286 : vector<16xi32>
    %get3A_288 = arith.constant 0 : index
    %get3A_289 = tpu.vector_load %arg7[%get3A_288] {strides = array<i32>} : memref<256xf32, #tpu.memory_space<vmem>>, vector<16xf32>,
    tpu.vector_store_idx %arg9[%add3A_287], %get3A_289 {add = true} : memref<2176xf32, #tpu.memory_space<vmem>>[vector<16xi32>], vector<16xf32>,
    %get3A_290 = arith.constant 0 : index
    %get3A_291 = tpu.vector_load %arg7[%get3A_290] {strides = array<i32>} : memref<256xf32, #tpu.memory_space<vmem>>, vector<16xf32>,
    %get3A_292 = arith.constant 0 : index
    %get3A_293 = tpu.vector_load %arg6[%get3A_292] {strides = array<i32>} : memref<256xf32, #tpu.memory_space<vmem>>, vector<16xf32>,
    %mul3A_294 = arith.mulf %get3A_291, %get3A_293 : vector<16xf32>
    %add3A_295 = arith.addf %broadcast_in_dim3A_6, %mul3A_294 : vector<16xf32>
    %get3A_296 = arith.constant 16 : index
    %get3A_297 = tpu.vector_load %arg8[%get3A_296] {strides = array<i32>} : memref<256xi32, #tpu.memory_space<vmem>>, vector<16xi32>,
    %get3A_298 = arith.constant 16 : index
    %get3A_299 = tpu.vector_load %arg6[%get3A_298] {strides = array<i32>} : memref<256xf32, #tpu.memory_space<vmem>>, vector<16xf32>,
    %exp3A_300 = math.exp %get3A_299 : vector<16xf32>
    tpu.vector_store_idx %arg9[%get3A_297], %exp3A_300 {add = true} : memref<2176xf32, #tpu.memory_space<vmem>>[vector<16xi32>], vector<16xf32>,
    %add3A_301 = arith.constant 1024 : i32
    %add3A_302 = vector.broadcast %add3A_301 : i32 to vector<16xi32>
    %add3A_303 = arith.addi %get3A_297, %add3A_302 : vector<16xi32>
    %get3A_304 = arith.constant 16 : index
    %get3A_305 = tpu.vector_load %arg7[%get3A_304] {strides = array<i32>} : memref<256xf32, #tpu.memory_space<vmem>>, vector<16xf32>,
    tpu.vector_store_idx %arg9[%add3A_303], %get3A_305 {add = true} : memref<2176xf32, #tpu.memory_space<vmem>>[vector<16xi32>], vector<16xf32>,
    %get3A_306 = arith.constant 16 : index
    %get3A_307 = tpu.vector_load %arg7[%get3A_306] {strides = array<i32>} : memref<256xf32, #tpu.memory_space<vmem>>, vector<16xf32>,
    %get3A_308 = arith.constant 16 : index
    %get3A_309 = tpu.vector_load %arg6[%get3A_308] {strides = array<i32>} : memref<256xf32, #tpu.memory_space<vmem>>, vector<16xf32>,
    %mul3A_310 = arith.mulf %get3A_307, %get3A_309 : vector<16xf32>
    %add3A_311 = arith.addf %add3A_295, %mul3A_310 : vector<16xf32>
    %get3A_312 = arith.constant 32 : index
    %get3A_313 = tpu.vector_load %arg8[%get3A_312] {strides = array<i32>} : memref<256xi32, #tpu.memory_space<vmem>>, vector<16xi32>,
    %get3A_314 = arith.constant 32 : index
    %get3A_315 = tpu.vector_load %arg6[%get3A_314] {strides = array<i32>} : memref<256xf32, #tpu.memory_space<vmem>>, vector<16xf32>,
    %exp3A_316 = math.exp %get3A_315 : vector<16xf32>
    tpu.vector_store_idx %arg9[%get3A_313], %exp3A_316 {add = true} : memref<2176xf32, #tpu.memory_space<vmem>>[vector<16xi32>], vector<16xf32>,
    %add3A_317 = arith.constant 1024 : i32
    %add3A_318 = vector.broadcast %add3A_317 : i32 to vector<16xi32>
    %add3A_319 = arith.addi %get3A_313, %add3A_318 : vector<16xi32>
    %get3A_320 = arith.constant 32 : index
    %get3A_321 = tpu.vector_load %arg7[%get3A_320] {strides = array<i32>} : memref<256xf32, #tpu.memory_space<vmem>>, vector<16xf32>,
    tpu.vector_store_idx %arg9[%add3A_319], %get3A_321 {add = true} : memref<2176xf32, #tpu.memory_space<vmem>>[vector<16xi32>], vector<16xf32>,
    %get3A_322 = arith.constant 32 : index
    %get3A_323 = tpu.vector_load %arg7[%get3A_322] {strides = array<i32>} : memref<256xf32, #tpu.memory_space<vmem>>, vector<16xf32>,
    %get3A_324 = arith.constant 32 : index
    %get3A_325 = tpu.vector_load %arg6[%get3A_324] {strides = array<i32>} : memref<256xf32, #tpu.memory_space<vmem>>, vector<16xf32>,
    %mul3A_326 = arith.mulf %get3A_323, %get3A_325 : vector<16xf32>
    %add3A_327 = arith.addf %add3A_311, %mul3A_326 : vector<16xf32>
    %get3A_328 = arith.constant 48 : index
    %get3A_329 = tpu.vector_load %arg8[%get3A_328] {strides = array<i32>} : memref<256xi32, #tpu.memory_space<vmem>>, vector<16xi32>,
    %get3A_330 = arith.constant 48 : index
    %get3A_331 = tpu.vector_load %arg6[%get3A_330] {strides = array<i32>} : memref<256xf32, #tpu.memory_space<vmem>>, vector<16xf32>,
    %exp3A_332 = math.exp %get3A_331 : vector<16xf32>
    tpu.vector_store_idx %arg9[%get3A_329], %exp3A_332 {add = true} : memref<2176xf32, #tpu.memory_space<vmem>>[vector<16xi32>], vector<16xf32>,
    %add3A_333 = arith.constant 1024 : i32
    %add3A_334 = vector.broadcast %add3A_333 : i32 to vector<16xi32>
    %add3A_335 = arith.addi %get3A_329, %add3A_334 : vector<16xi32>
    %get3A_336 = arith.constant 48 : index
    %get3A_337 = tpu.vector_load %arg7[%get3A_336] {strides = array<i32>} : memref<256xf32, #tpu.memory_space<vmem>>, vector<16xf32>,
    tpu.vector_store_idx %arg9[%add3A_335], %get3A_337 {add = true} : memref<2176xf32, #tpu.memory_space<vmem>>[vector<16xi32>], vector<16xf32>,
    %get3A_338 = arith.constant 48 : index
    %get3A_339 = tpu.vector_load %arg7[%get3A_338] {strides = array<i32>} : memref<256xf32, #tpu.memory_space<vmem>>, vector<16xf32>,
    %get3A_340 = arith.constant 48 : index
    %get3A_341 = tpu.vector_load %arg6[%get3A_340] {strides = array<i32>} : memref<256xf32, #tpu.memory_space<vmem>>, vector<16xf32>,
    %mul3A_342 = arith.mulf %get3A_339, %get3A_341 : vector<16xf32>
    %add3A_343 = arith.addf %add3A_327, %mul3A_342 : vector<16xf32>
    %get3A_344 = arith.constant 64 : index
    %get3A_345 = tpu.vector_load %arg8[%get3A_344] {strides = array<i32>} : memref<256xi32, #tpu.memory_space<vmem>>, vector<16xi32>,
    %get3A_346 = arith.constant 64 : index
    %get3A_347 = tpu.vector_load %arg6[%get3A_346] {strides = array<i32>} : memref<256xf32, #tpu.memory_space<vmem>>, vector<16xf32>,
    %exp3A_348 = math.exp %get3A_347 : vector<16xf32>
    tpu.vector_store_idx %arg9[%get3A_345], %exp3A_348 {add = true} : memref<2176xf32, #tpu.memory_space<vmem>>[vector<16xi32>], vector<16xf32>,
    %add3A_349 = arith.constant 1024 : i32
    %add3A_350 = vector.broadcast %add3A_349 : i32 to vector<16xi32>
    %add3A_351 = arith.addi %get3A_345, %add3A_350 : vector<16xi32>
    %get3A_352 = arith.constant 64 : index
    %get3A_353 = tpu.vector_load %arg7[%get3A_352] {strides = array<i32>} : memref<256xf32, #tpu.memory_space<vmem>>, vector<16xf32>,
    tpu.vector_store_idx %arg9[%add3A_351], %get3A_353 {add = true} : memref<2176xf32, #tpu.memory_space<vmem>>[vector<16xi32>], vector<16xf32>,
    %get3A_354 = arith.constant 64 : index
    %get3A_355 = tpu.vector_load %arg7[%get3A_354] {strides = array<i32>} : memref<256xf32, #tpu.memory_space<vmem>>, vector<16xf32>,
    %get3A_356 = arith.constant 64 : index
    %get3A_357 = tpu.vector_load %arg6[%get3A_356] {strides = array<i32>} : memref<256xf32, #tpu.memory_space<vmem>>, vector<16xf32>,
    %mul3A_358 = arith.mulf %get3A_355, %get3A_357 : vector<16xf32>
    %add3A_359 = arith.addf %add3A_343, %mul3A_358 : vector<16xf32>
    %get3A_360 = arith.constant 80 : index
    %get3A_361 = tpu.vector_load %arg8[%get3A_360] {strides = array<i32>} : memref<256xi32, #tpu.memory_space<vmem>>, vector<16xi32>,
    %get3A_362 = arith.constant 80 : index
    %get3A_363 = tpu.vector_load %arg6[%get3A_362] {strides = array<i32>} : memref<256xf32, #tpu.memory_space<vmem>>, vector<16xf32>,
    %exp3A_364 = math.exp %get3A_363 : vector<16xf32>
    tpu.vector_store_idx %arg9[%get3A_361], %exp3A_364 {add = true} : memref<2176xf32, #tpu.memory_space<vmem>>[vector<16xi32>], vector<16xf32>,
    %add3A_365 = arith.constant 1024 : i32
    %add3A_366 = vector.broadcast %add3A_365 : i32 to vector<16xi32>
    %add3A_367 = arith.addi %get3A_361, %add3A_366 : vector<16xi32>
    %get3A_368 = arith.constant 80 : index
    %get3A_369 = tpu.vector_load %arg7[%get3A_368] {strides = array<i32>} : memref<256xf32, #tpu.memory_space<vmem>>, vector<16xf32>,
    tpu.vector_store_idx %arg9[%add3A_367], %get3A_369 {add = true} : memref<2176xf32, #tpu.memory_space<vmem>>[vector<16xi32>], vector<16xf32>,
    %get3A_370 = arith.constant 80 : index
    %get3A_371 = tpu.vector_load %arg7[%get3A_370] {strides = array<i32>} : memref<256xf32, #tpu.memory_space<vmem>>, vector<16xf32>,
    %get3A_372 = arith.constant 80 : index
    %get3A_373 = tpu.vector_load %arg6[%get3A_372] {strides = array<i32>} : memref<256xf32, #tpu.memory_space<vmem>>, vector<16xf32>,
    %mul3A_374 = arith.mulf %get3A_371, %get3A_373 : vector<16xf32>
    %add3A_375 = arith.addf %add3A_359, %mul3A_374 : vector<16xf32>
    %get3A_376 = arith.constant 96 : index
    %get3A_377 = tpu.vector_load %arg8[%get3A_376] {strides = array<i32>} : memref<256xi32, #tpu.memory_space<vmem>>, vector<16xi32>,
    %get3A_378 = arith.constant 96 : index
    %get3A_379 = tpu.vector_load %arg6[%get3A_378] {strides = array<i32>} : memref<256xf32, #tpu.memory_space<vmem>>, vector<16xf32>,
    %exp3A_380 = math.exp %get3A_379 : vector<16xf32>
    tpu.vector_store_idx %arg9[%get3A_377], %exp3A_380 {add = true} : memref<2176xf32, #tpu.memory_space<vmem>>[vector<16xi32>], vector<16xf32>,
    %add3A_381 = arith.constant 1024 : i32
    %add3A_382 = vector.broadcast %add3A_381 : i32 to vector<16xi32>
    %add3A_383 = arith.addi %get3A_377, %add3A_382 : vector<16xi32>
    %get3A_384 = arith.constant 96 : index
    %get3A_385 = tpu.vector_load %arg7[%get3A_384] {strides = array<i32>} : memref<256xf32, #tpu.memory_space<vmem>>, vector<16xf32>,
    tpu.vector_store_idx %arg9[%add3A_383], %get3A_385 {add = true} : memref<2176xf32, #tpu.memory_space<vmem>>[vector<16xi32>], vector<16xf32>,
    %get3A_386 = arith.constant 96 : index
    %get3A_387 = tpu.vector_load %arg7[%get3A_386] {strides = array<i32>} : memref<256xf32, #tpu.memory_space<vmem>>, vector<16xf32>,
    %get3A_388 = arith.constant 96 : index
    %get3A_389 = tpu.vector_load %arg6[%get3A_388] {strides = array<i32>} : memref<256xf32, #tpu.memory_space<vmem>>, vector<16xf32>,
    %mul3A_390 = arith.mulf %get3A_387, %get3A_389 : vector<16xf32>
    %add3A_391 = arith.addf %add3A_375, %mul3A_390 : vector<16xf32>
    %get3A_392 = arith.constant 112 : index
    %get3A_393 = tpu.vector_load %arg8[%get3A_392] {strides = array<i32>} : memref<256xi32, #tpu.memory_space<vmem>>, vector<16xi32>,
    %get3A_394 = arith.constant 112 : index
    %get3A_395 = tpu.vector_load %arg6[%get3A_394] {strides = array<i32>} : memref<256xf32, #tpu.memory_space<vmem>>, vector<16xf32>,
    %exp3A_396 = math.exp %get3A_395 : vector<16xf32>
    tpu.vector_store_idx %arg9[%get3A_393], %exp3A_396 {add = true} : memref<2176xf32, #tpu.memory_space<vmem>>[vector<16xi32>], vector<16xf32>,
    %add3A_397 = arith.constant 1024 : i32
    %add3A_398 = vector.broadcast %add3A_397 : i32 to vector<16xi32>
    %add3A_399 = arith.addi %get3A_393, %add3A_398 : vector<16xi32>
    %get3A_400 = arith.constant 112 : index
    %get3A_401 = tpu.vector_load %arg7[%get3A_400] {strides = array<i32>} : memref<256xf32, #tpu.memory_space<vmem>>, vector<16xf32>,
    tpu.vector_store_idx %arg9[%add3A_399], %get3A_401 {add = true} : memref<2176xf32, #tpu.memory_space<vmem>>[vector<16xi32>], vector<16xf32>,
    %get3A_402 = arith.constant 112 : index
    %get3A_403 = tpu.vector_load %arg7[%get3A_402] {strides = array<i32>} : memref<256xf32, #tpu.memory_space<vmem>>, vector<16xf32>,
    %get3A_404 = arith.constant 112 : index
    %get3A_405 = tpu.vector_load %arg6[%get3A_404] {strides = array<i32>} : memref<256xf32, #tpu.memory_space<vmem>>, vector<16xf32>,
    %mul3A_406 = arith.mulf %get3A_403, %get3A_405 : vector<16xf32>
    %add3A_407 = arith.addf %add3A_391, %mul3A_406 : vector<16xf32>
    %get3A_408 = arith.constant 128 : index
    %get3A_409 = tpu.vector_load %arg8[%get3A_408] {strides = array<i32>} : memref<256xi32, #tpu.memory_space<vmem>>, vector<16xi32>,
    %get3A_410 = arith.constant 128 : index
    %get3A_411 = tpu.vector_load %arg6[%get3A_410] {strides = array<i32>} : memref<256xf32, #tpu.memory_space<vmem>>, vector<16xf32>,
    %exp3A_412 = math.exp %get3A_411 : vector<16xf32>
    tpu.vector_store_idx %arg9[%get3A_409], %exp3A_412 {add = true} : memref<2176xf32, #tpu.memory_space<vmem>>[vector<16xi32>], vector<16xf32>,
    %add3A_413 = arith.constant 1024 : i32
    %add3A_414 = vector.broadcast %add3A_413 : i32 to vector<16xi32>
    %add3A_415 = arith.addi %get3A_409, %add3A_414 : vector<16xi32>
    %get3A_416 = arith.constant 128 : index
    %get3A_417 = tpu.vector_load %arg7[%get3A_416] {strides = array<i32>} : memref<256xf32, #tpu.memory_space<vmem>>, vector<16xf32>,
    tpu.vector_store_idx %arg9[%add3A_415], %get3A_417 {add = true} : memref<2176xf32, #tpu.memory_space<vmem>>[vector<16xi32>], vector<16xf32>,
    %get3A_418 = arith.constant 128 : index
    %get3A_419 = tpu.vector_load %arg7[%get3A_418] {strides = array<i32>} : memref<256xf32, #tpu.memory_space<vmem>>, vector<16xf32>,
    %get3A_420 = arith.constant 128 : index
    %get3A_421 = tpu.vector_load %arg6[%get3A_420] {strides = array<i32>} : memref<256xf32, #tpu.memory_space<vmem>>, vector<16xf32>,
    %mul3A_422 = arith.mulf %get3A_419, %get3A_421 : vector<16xf32>
    %add3A_423 = arith.addf %add3A_407, %mul3A_422 : vector<16xf32>
    %get3A_424 = arith.constant 144 : index
    %get3A_425 = tpu.vector_load %arg8[%get3A_424] {strides = array<i32>} : memref<256xi32, #tpu.memory_space<vmem>>, vector<16xi32>,
    %get3A_426 = arith.constant 144 : index
    %get3A_427 = tpu.vector_load %arg6[%get3A_426] {strides = array<i32>} : memref<256xf32, #tpu.memory_space<vmem>>, vector<16xf32>,
    %exp3A_428 = math.exp %get3A_427 : vector<16xf32>
    tpu.vector_store_idx %arg9[%get3A_425], %exp3A_428 {add = true} : memref<2176xf32, #tpu.memory_space<vmem>>[vector<16xi32>], vector<16xf32>,
    %add3A_429 = arith.constant 1024 : i32
    %add3A_430 = vector.broadcast %add3A_429 : i32 to vector<16xi32>
    %add3A_431 = arith.addi %get3A_425, %add3A_430 : vector<16xi32>
    %get3A_432 = arith.constant 144 : index
    %get3A_433 = tpu.vector_load %arg7[%get3A_432] {strides = array<i32>} : memref<256xf32, #tpu.memory_space<vmem>>, vector<16xf32>,
    tpu.vector_store_idx %arg9[%add3A_431], %get3A_433 {add = true} : memref<2176xf32, #tpu.memory_space<vmem>>[vector<16xi32>], vector<16xf32>,
    %get3A_434 = arith.constant 144 : index
    %get3A_435 = tpu.vector_load %arg7[%get3A_434] {strides = array<i32>} : memref<256xf32, #tpu.memory_space<vmem>>, vector<16xf32>,
    %get3A_436 = arith.constant 144 : index
    %get3A_437 = tpu.vector_load %arg6[%get3A_436] {strides = array<i32>} : memref<256xf32, #tpu.memory_space<vmem>>, vector<16xf32>,
    %mul3A_438 = arith.mulf %get3A_435, %get3A_437 : vector<16xf32>
    %add3A_439 = arith.addf %add3A_423, %mul3A_438 : vector<16xf32>
    %get3A_440 = arith.constant 160 : index
    %get3A_441 = tpu.vector_load %arg8[%get3A_440] {strides = array<i32>} : memref<256xi32, #tpu.memory_space<vmem>>, vector<16xi32>,
    %get3A_442 = arith.constant 160 : index
    %get3A_443 = tpu.vector_load %arg6[%get3A_442] {strides = array<i32>} : memref<256xf32, #tpu.memory_space<vmem>>, vector<16xf32>,
    %exp3A_444 = math.exp %get3A_443 : vector<16xf32>
    tpu.vector_store_idx %arg9[%get3A_441], %exp3A_444 {add = true} : memref<2176xf32, #tpu.memory_space<vmem>>[vector<16xi32>], vector<16xf32>,
    %add3A_445 = arith.constant 1024 : i32
    %add3A_446 = vector.broadcast %add3A_445 : i32 to vector<16xi32>
    %add3A_447 = arith.addi %get3A_441, %add3A_446 : vector<16xi32>
    %get3A_448 = arith.constant 160 : index
    %get3A_449 = tpu.vector_load %arg7[%get3A_448] {strides = array<i32>} : memref<256xf32, #tpu.memory_space<vmem>>, vector<16xf32>,
    tpu.vector_store_idx %arg9[%add3A_447], %get3A_449 {add = true} : memref<2176xf32, #tpu.memory_space<vmem>>[vector<16xi32>], vector<16xf32>,
    %get3A_450 = arith.constant 160 : index
    %get3A_451 = tpu.vector_load %arg7[%get3A_450] {strides = array<i32>} : memref<256xf32, #tpu.memory_space<vmem>>, vector<16xf32>,
    %get3A_452 = arith.constant 160 : index
    %get3A_453 = tpu.vector_load %arg6[%get3A_452] {strides = array<i32>} : memref<256xf32, #tpu.memory_space<vmem>>, vector<16xf32>,
    %mul3A_454 = arith.mulf %get3A_451, %get3A_453 : vector<16xf32>
    %add3A_455 = arith.addf %add3A_439, %mul3A_454 : vector<16xf32>
    %get3A_456 = arith.constant 176 : index
    %get3A_457 = tpu.vector_load %arg8[%get3A_456] {strides = array<i32>} : memref<256xi32, #tpu.memory_space<vmem>>, vector<16xi32>,
    %get3A_458 = arith.constant 176 : index
    %get3A_459 = tpu.vector_load %arg6[%get3A_458] {strides = array<i32>} : memref<256xf32, #tpu.memory_space<vmem>>, vector<16xf32>,
    %exp3A_460 = math.exp %get3A_459 : vector<16xf32>
    tpu.vector_store_idx %arg9[%get3A_457], %exp3A_460 {add = true} : memref<2176xf32, #tpu.memory_space<vmem>>[vector<16xi32>], vector<16xf32>,
    %add3A_461 = arith.constant 1024 : i32
    %add3A_462 = vector.broadcast %add3A_461 : i32 to vector<16xi32>
    %add3A_463 = arith.addi %get3A_457, %add3A_462 : vector<16xi32>
    %get3A_464 = arith.constant 176 : index
    %get3A_465 = tpu.vector_load %arg7[%get3A_464] {strides = array<i32>} : memref<256xf32, #tpu.memory_space<vmem>>, vector<16xf32>,
    tpu.vector_store_idx %arg9[%add3A_463], %get3A_465 {add = true} : memref<2176xf32, #tpu.memory_space<vmem>>[vector<16xi32>], vector<16xf32>,
    %get3A_466 = arith.constant 176 : index
    %get3A_467 = tpu.vector_load %arg7[%get3A_466] {strides = array<i32>} : memref<256xf32, #tpu.memory_space<vmem>>, vector<16xf32>,
    %get3A_468 = arith.constant 176 : index
    %get3A_469 = tpu.vector_load %arg6[%get3A_468] {strides = array<i32>} : memref<256xf32, #tpu.memory_space<vmem>>, vector<16xf32>,
    %mul3A_470 = arith.mulf %get3A_467, %get3A_469 : vector<16xf32>
    %add3A_471 = arith.addf %add3A_455, %mul3A_470 : vector<16xf32>
    %get3A_472 = arith.constant 192 : index
    %get3A_473 = tpu.vector_load %arg8[%get3A_472] {strides = array<i32>} : memref<256xi32, #tpu.memory_space<vmem>>, vector<16xi32>,
    %get3A_474 = arith.constant 192 : index
    %get3A_475 = tpu.vector_load %arg6[%get3A_474] {strides = array<i32>} : memref<256xf32, #tpu.memory_space<vmem>>, vector<16xf32>,
    %exp3A_476 = math.exp %get3A_475 : vector<16xf32>
    tpu.vector_store_idx %arg9[%get3A_473], %exp3A_476 {add = true} : memref<2176xf32, #tpu.memory_space<vmem>>[vector<16xi32>], vector<16xf32>,
    %add3A_477 = arith.constant 1024 : i32
    %add3A_478 = vector.broadcast %add3A_477 : i32 to vector<16xi32>
    %add3A_479 = arith.addi %get3A_473, %add3A_478 : vector<16xi32>
    %get3A_480 = arith.constant 192 : index
    %get3A_481 = tpu.vector_load %arg7[%get3A_480] {strides = array<i32>} : memref<256xf32, #tpu.memory_space<vmem>>, vector<16xf32>,
    tpu.vector_store_idx %arg9[%add3A_479], %get3A_481 {add = true} : memref<2176xf32, #tpu.memory_space<vmem>>[vector<16xi32>], vector<16xf32>,
    %get3A_482 = arith.constant 192 : index
    %get3A_483 = tpu.vector_load %arg7[%get3A_482] {strides = array<i32>} : memref<256xf32, #tpu.memory_space<vmem>>, vector<16xf32>,
    %get3A_484 = arith.constant 192 : index
    %get3A_485 = tpu.vector_load %arg6[%get3A_484] {strides = array<i32>} : memref<256xf32, #tpu.memory_space<vmem>>, vector<16xf32>,
    %mul3A_486 = arith.mulf %get3A_483, %get3A_485 : vector<16xf32>
    %add3A_487 = arith.addf %add3A_471, %mul3A_486 : vector<16xf32>
    %get3A_488 = arith.constant 208 : index
    %get3A_489 = tpu.vector_load %arg8[%get3A_488] {strides = array<i32>} : memref<256xi32, #tpu.memory_space<vmem>>, vector<16xi32>,
    %get3A_490 = arith.constant 208 : index
    %get3A_491 = tpu.vector_load %arg6[%get3A_490] {strides = array<i32>} : memref<256xf32, #tpu.memory_space<vmem>>, vector<16xf32>,
    %exp3A_492 = math.exp %get3A_491 : vector<16xf32>
    tpu.vector_store_idx %arg9[%get3A_489], %exp3A_492 {add = true} : memref<2176xf32, #tpu.memory_space<vmem>>[vector<16xi32>], vector<16xf32>,
    %add3A_493 = arith.constant 1024 : i32
    %add3A_494 = vector.broadcast %add3A_493 : i32 to vector<16xi32>
    %add3A_495 = arith.addi %get3A_489, %add3A_494 : vector<16xi32>
    %get3A_496 = arith.constant 208 : index
    %get3A_497 = tpu.vector_load %arg7[%get3A_496] {strides = array<i32>} : memref<256xf32, #tpu.memory_space<vmem>>, vector<16xf32>,
    tpu.vector_store_idx %arg9[%add3A_495], %get3A_497 {add = true} : memref<2176xf32, #tpu.memory_space<vmem>>[vector<16xi32>], vector<16xf32>,
    %get3A_498 = arith.constant 208 : index
    %get3A_499 = tpu.vector_load %arg7[%get3A_498] {strides = array<i32>} : memref<256xf32, #tpu.memory_space<vmem>>, vector<16xf32>,
    %get3A_500 = arith.constant 208 : index
    %get3A_501 = tpu.vector_load %arg6[%get3A_500] {strides = array<i32>} : memref<256xf32, #tpu.memory_space<vmem>>, vector<16xf32>,
    %mul3A_502 = arith.mulf %get3A_499, %get3A_501 : vector<16xf32>
    %add3A_503 = arith.addf %add3A_487, %mul3A_502 : vector<16xf32>
    %get3A_504 = arith.constant 224 : index
    %get3A_505 = tpu.vector_load %arg8[%get3A_504] {strides = array<i32>} : memref<256xi32, #tpu.memory_space<vmem>>, vector<16xi32>,
    %get3A_506 = arith.constant 224 : index
    %get3A_507 = tpu.vector_load %arg6[%get3A_506] {strides = array<i32>} : memref<256xf32, #tpu.memory_space<vmem>>, vector<16xf32>,
    %exp3A_508 = math.exp %get3A_507 : vector<16xf32>
    tpu.vector_store_idx %arg9[%get3A_505], %exp3A_508 {add = true} : memref<2176xf32, #tpu.memory_space<vmem>>[vector<16xi32>], vector<16xf32>,
    %add3A_509 = arith.constant 1024 : i32
    %add3A_510 = vector.broadcast %add3A_509 : i32 to vector<16xi32>
    %add3A_511 = arith.addi %get3A_505, %add3A_510 : vector<16xi32>
    %get3A_512 = arith.constant 224 : index
    %get3A_513 = tpu.vector_load %arg7[%get3A_512] {strides = array<i32>} : memref<256xf32, #tpu.memory_space<vmem>>, vector<16xf32>,
    tpu.vector_store_idx %arg9[%add3A_511], %get3A_513 {add = true} : memref<2176xf32, #tpu.memory_space<vmem>>[vector<16xi32>], vector<16xf32>,
    %get3A_514 = arith.constant 224 : index
    %get3A_515 = tpu.vector_load %arg7[%get3A_514] {strides = array<i32>} : memref<256xf32, #tpu.memory_space<vmem>>, vector<16xf32>,
    %get3A_516 = arith.constant 224 : index
    %get3A_517 = tpu.vector_load %arg6[%get3A_516] {strides = array<i32>} : memref<256xf32, #tpu.memory_space<vmem>>, vector<16xf32>,
    %mul3A_518 = arith.mulf %get3A_515, %get3A_517 : vector<16xf32>
    %add3A_519 = arith.addf %add3A_503, %mul3A_518 : vector<16xf32>
    %get3A_520 = arith.constant 240 : index
    %get3A_521 = tpu.vector_load %arg8[%get3A_520] {strides = array<i32>} : memref<256xi32, #tpu.memory_space<vmem>>, vector<16xi32>,
    %get3A_522 = arith.constant 240 : index
    %get3A_523 = tpu.vector_load %arg6[%get3A_522] {strides = array<i32>} : memref<256xf32, #tpu.memory_space<vmem>>, vector<16xf32>,
    %exp3A_524 = math.exp %get3A_523 : vector<16xf32>
    tpu.vector_store_idx %arg9[%get3A_521], %exp3A_524 {add = true} : memref<2176xf32, #tpu.memory_space<vmem>>[vector<16xi32>], vector<16xf32>,
    %add3A_525 = arith.constant 1024 : i32
    %add3A_526 = vector.broadcast %add3A_525 : i32 to vector<16xi32>
    %add3A_527 = arith.addi %get3A_521, %add3A_526 : vector<16xi32>
    %get3A_528 = arith.constant 240 : index
    %get3A_529 = tpu.vector_load %arg7[%get3A_528] {strides = array<i32>} : memref<256xf32, #tpu.memory_space<vmem>>, vector<16xf32>,
    tpu.vector_store_idx %arg9[%add3A_527], %get3A_529 {add = true} : memref<2176xf32, #tpu.memory_space<vmem>>[vector<16xi32>], vector<16xf32>,
    %get3A_530 = arith.constant 240 : index
    %get3A_531 = tpu.vector_load %arg7[%get3A_530] {strides = array<i32>} : memref<256xf32, #tpu.memory_space<vmem>>, vector<16xf32>,
    %get3A_532 = arith.constant 240 : index
    %get3A_533 = tpu.vector_load %arg6[%get3A_532] {strides = array<i32>} : memref<256xf32, #tpu.memory_space<vmem>>, vector<16xf32>,
    %mul3A_534 = arith.mulf %get3A_531, %get3A_533 : vector<16xf32>
    %add3A_535 = arith.addf %add3A_519, %mul3A_534 : vector<16xf32>
    %swap3A_536 = arith.constant 2048 : index
    %swap3A_537 = tpu.vector_load %arg9[%swap3A_536] {strides = array<i32>} : memref<2176xf32, #tpu.memory_space<vmem>>, vector<16xf32>,
    tpu.vector_store %arg9[%swap3A_536], %add3A_535 {strides = array<i32>} : memref<2176xf32, #tpu.memory_space<vmem>>, vector<16xf32>,
    "tpu.region"() ({
      %run_scoped3A = tpu.sem_alloc : memref<!tpu.dma_semaphore, #tpu.memory_space<semaphore_mem>>
      %dma_start3A_538 = arith.constant 0 : i32
      %dma_start3A_539 = tpu.memref_slice %arg5[%arg1, %dma_start3A_538] : memref<16x2176xf32, #tpu.memory_space<hbm>> -> memref<1x2176xf32, #tpu.memory_space<hbm>>
      %dma_start3A_540 = tpu.memref_squeeze %dma_start3A_539 : memref<1x2176xf32, #tpu.memory_space<hbm>> -> memref<2176xf32, #tpu.memory_space<hbm>>
      %dma_start3A_541 = arith.constant 0 : i32
      %dma_start3A_542 = tpu.memref_slice %arg5[%arg1, %dma_start3A_541] : memref<16x2176xf32, #tpu.memory_space<hbm>> -> memref<1x2176xf32, #tpu.memory_space<hbm>>
      %dma_start3A_543 = tpu.memref_squeeze %dma_start3A_542 : memref<1x2176xf32, #tpu.memory_space<hbm>> -> memref<2176xf32, #tpu.memory_space<hbm>>
      tpu.enqueue_dma source(%arg9 : memref<2176xf32, #tpu.memory_space<vmem>>) target(%dma_start3A_543 : memref<2176xf32, #tpu.memory_space<hbm>>) target_semaphore(%run_scoped3A : memref<!tpu.dma_semaphore, #tpu.memory_space<semaphore_mem>>)
      %dma_wait3A_544 = arith.constant 0 : i32
      %dma_wait3A_545 = tpu.memref_slice %arg5[%arg1, %dma_wait3A_544] : memref<16x2176xf32, #tpu.memory_space<hbm>> -> memref<1x2176xf32, #tpu.memory_space<hbm>>
      %dma_wait3A_546 = tpu.memref_squeeze %dma_wait3A_545 : memref<1x2176xf32, #tpu.memory_space<hbm>> -> memref<2176xf32, #tpu.memory_space<hbm>>
      %dma_wait3A_547 = arith.constant 0 : i32
      %dma_wait3A_548 = tpu.memref_slice %arg5[%arg1, %dma_wait3A_547] : memref<16x2176xf32, #tpu.memory_space<hbm>> -> memref<1x2176xf32, #tpu.memory_space<hbm>>
      %dma_wait3A_549 = tpu.memref_squeeze %dma_wait3A_548 : memref<1x2176xf32, #tpu.memory_space<hbm>> -> memref<2176xf32, #tpu.memory_space<hbm>>
      tpu.wait_dma2 semaphore(%run_scoped3A : memref<!tpu.dma_semaphore, #tpu.memory_space<semaphore_mem>>) src(%arg9 : memref<2176xf32, #tpu.memory_space<vmem>>) dst(%dma_wait3A_549 : memref<2176xf32, #tpu.memory_space<hbm>>)
      tpu.yield
    }) : () -> ()
    return
  }
}

module attributes {stable_mosaic.version = 14 : i64} {
  func.func @_tc_fin_body(%arg0: memref<16x2176xf32, #tpu.memory_space<vmem>>, %arg1: memref<1x1xf32, #tpu.memory_space<smem>>) attributes {dimension_semantics = [], scalar_prefetch = 0 : i64, scratch_operands = 0 : i64, tpu.core_type = #tpu.core_type<tc>} {
    %get3A = arith.constant 0 : index
    %get3A_0 = arith.constant 0 : index
    %get3A_1 = vector.load %arg0[%get3A, %get3A_0] : memref<16x2176xf32, #tpu.memory_space<vmem>>, vector<16x2176xf32>
    %reduce_sum3A = arith.constant dense<0.000000e+00> : vector<2176xf32>
    %reduce_sum3A_2 = vector.multi_reduction <add>, %get3A_1, %reduce_sum3A [0] : vector<16x2176xf32> to vector<2176xf32>
    %broadcast_in_dim3A = vector.shape_cast %reduce_sum3A_2 : vector<2176xf32> to vector<1x2176xf32>
    %slice3A = vector.extract_strided_slice %broadcast_in_dim3A {offsets = [0, 0], sizes = [1, 1024], strides = [1, 1]} : vector<1x2176xf32> to vector<1x1024xf32>
    %slice3A_3 = vector.extract_strided_slice %broadcast_in_dim3A {offsets = [0, 1024], sizes = [1, 1024], strides = [1, 1]} : vector<1x2176xf32> to vector<1x1024xf32>
    %slice3A_4 = vector.extract_strided_slice %broadcast_in_dim3A {offsets = [0, 2048], sizes = [1, 128], strides = [1, 1]} : vector<1x2176xf32> to vector<1x128xf32>
    %reduce_sum3A_5 = vector.shape_cast %slice3A_4 : vector<1x128xf32> to vector<1x1x128xf32>
    %reduce_sum3A_6 = arith.constant dense<0.000000e+00> : vector<1xf32>
    %reduce_sum3A_7 = vector.multi_reduction <add>, %reduce_sum3A_5, %reduce_sum3A_6 [1, 2] : vector<1x1x128xf32> to vector<1xf32>
    %reduce_sum3A_8 = vector.shape_cast %reduce_sum3A_7 : vector<1xf32> to vector<1x1x1xf32>
    %reduce_sum3A_9 = vector.extract %reduce_sum3A_8[0, 0, 0] : f32 from vector<1x1x1xf32>
    %iota3A = tpu.iota {dimensions = array<i32: 0>} : vector<1024x1024xi32>
    %iota3A_10 = tpu.iota {dimensions = array<i32: 1>} : vector<1024x1024xi32>
    %ge3A = arith.cmpi sge, %iota3A, %iota3A_10 : vector<1024x1024xi32>
    %convert_element_type3A = arith.extui %ge3A : vector<1024x1024xi1> to vector<1024x1024xi32>
    %convert_element_type3A_11 = arith.sitofp %convert_element_type3A : vector<1024x1024xi32> to vector<1024x1024xf32>
    %dot_general3A = arith.constant dense<0.000000e+00> : vector<1x1024xf32>
    %dot_general3A_12 = tpu.matmul %slice3A, %convert_element_type3A_11, %dot_general3A {dimension_numbers = #tpu.dot_dimension_numbers<[1], [0], [0], [1], [0, 0, 1, 1], [], []>, precision = #tpu.contract_precision<fp32>, transpose_lhs_hint = false} : vector<1x1024xf32>, vector<1024x1024xf32>, vector<1x1024xf32> -> vector<1x1024xf32>
    %gt3A = arith.constant 0.000000e+00 : f32
    %gt3A_13 = vector.broadcast %gt3A : f32 to vector<1x1024xf32>
    %gt3A_14 = arith.cmpf ogt, %slice3A_3, %gt3A_13 : vector<1x1024xf32>
    %max3A = arith.constant 9.99999991E-38 : f32
    %max3A_15 = vector.broadcast %max3A : f32 to vector<1x1024xf32>
    %max3A_16 = arith.maximumf %dot_general3A_12, %max3A_15 : vector<1x1024xf32>
    %log3A = math.log %max3A_16 : vector<1x1024xf32>
    %mul3A = arith.mulf %slice3A_3, %log3A : vector<1x1024xf32>
    %jit3A = arith.constant 0.000000e+00 : f32
    %broadcast_in_dim3A_17 = vector.broadcast %jit3A : f32 to vector<1x1024xf32>
    %select_n3A = arith.select %gt3A_14, %mul3A, %broadcast_in_dim3A_17 : vector<1x1024xi1>, vector<1x1024xf32>
    %reduce_sum3A_18 = vector.shape_cast %select_n3A : vector<1x1024xf32> to vector<1x1x1024xf32>
    %reduce_sum3A_19 = arith.constant dense<0.000000e+00> : vector<1xf32>
    %reduce_sum3A_20 = vector.multi_reduction <add>, %reduce_sum3A_18, %reduce_sum3A_19 [1, 2] : vector<1x1x1024xf32> to vector<1xf32>
    %reduce_sum3A_21 = vector.shape_cast %reduce_sum3A_20 : vector<1xf32> to vector<1x1x1xf32>
    %reduce_sum3A_22 = vector.extract %reduce_sum3A_21[0, 0, 0] : f32 from vector<1x1x1xf32>
    %reduce_sum3A_23 = vector.shape_cast %slice3A_3 : vector<1x1024xf32> to vector<1x1x1024xf32>
    %reduce_sum3A_24 = arith.constant dense<0.000000e+00> : vector<1xf32>
    %reduce_sum3A_25 = vector.multi_reduction <add>, %reduce_sum3A_23, %reduce_sum3A_24 [1, 2] : vector<1x1x1024xf32> to vector<1xf32>
    %reduce_sum3A_26 = vector.shape_cast %reduce_sum3A_25 : vector<1xf32> to vector<1x1x1xf32>
    %reduce_sum3A_27 = vector.extract %reduce_sum3A_26[0, 0, 0] : f32 from vector<1x1x1xf32>
    %sub3A = arith.subf %reduce_sum3A_22, %reduce_sum3A_9 : f32
    %add3A = arith.constant 1.000000e-07 : f32
    %add3A_28 = arith.addf %reduce_sum3A_27, %add3A : f32
    %div3A = arith.divf %sub3A, %add3A_28 : f32
    %swap3A = arith.constant 0 : index
    %swap3A_29 = arith.constant 0 : index
    %swap3A_30 = memref.load %arg1[%swap3A, %swap3A_29] : memref<1x1xf32, #tpu.memory_space<smem>>
    memref.store %div3A, %arg1[%swap3A, %swap3A_29] : memref<1x1xf32, #tpu.memory_space<smem>>
    return
  }
}

</mosaic_0001>

<sc_bundles>
// kernel: kernel.4.cloned.1.call-start
scs
__scs_entry_jumppad:
0x0: {  	(pc) =	sbr.rel $0x88, $3  }
0x1: {  	(tag) =	ssettag $0x0;
	lr =	simm.s32 $0x1  }
0x2: {  	[smem:$0x3F9E] =	sst lr;
	_ =	strace $0xD0000000  }
0x3: {  	_ = 	snop  }
0x4: {  	_ = 	snop  }
0x5: {  	_ = 	snop  }
0x6: {  	_ = 	snop  }
0x7: {  	_ = 	snop  }
__scs_overlays_trampoline_lowered:
0x8: {  	[smem:$0x3FAD] =	sst s0  }
0x9: {  	[smem:$0x3FAE] =	sst s1  }
0xa: {  	[smem:$0x3FAF] =	sst s2  }
0xb: {  	[smem:$0x3FB0] =	sst s3  }
0xc: {  	[smem:$0x3FB1] =	sst s4  }
0xd: {  	[smem:$0x3FB2] =	sst s5  }
0xe: {  	[smem:$0x3FB3] =	sst s6  }
0xf: {  	[smem:$0x3FB4] =	sst s7  }
0x10: {  	[smem:$0x3FB5] =	sst s8  }
0x11: {  	[smem:$0x3FB6] =	sst s9;
	s0 =	simm.s32 @!p0 $0x0  }
0x12: {  	s1 =	sld [smem:$0x3F9C];
	s0 =	simm.s32 @p0 $0x1  }
0x13: {  	[smem:$0x3FB7] =	sst s0;
	s0 =	simm.s32 @!p1 $0x0  }
0x14: {  	s2 =	sld [smem:$0x3F9B];
	s0 =	simm.s32 @p1 $0x1  }
0x15: {  	[smem:$0x3FB8] =	sst s0;
	s0 =	simm.s32 @!p2 $0x0  }
0x16: {  	s3 =	sld [smem:$0x3FDB];
	s0 =	simm.s32 @p2 $0x1  }
0x17: {  	s4 =	simm.s32 $0x1BF5;
	[smem:$0x3FBA] =	sst s0  }
0x18: {  	s0 =	sld [smem:$0x3F9D];
	_ =	swait.ge [sflag:s4], $0x0  }
0x19: {  	s7 =	sld [smem:$0x3F9E]  }
0x1a: {  	s8 =	sadd.s32 $0xFFFFE003, lr  }
0x1b: {  	s9 =	sadd.s32 $0xFFFFFEF7, lr;
	s5 =	simm.s32 $0xFFFFFFFF;
	p2 =	slt.u32 s8, $0xFFFFF086  }
0x1c: {  	p1 =	slt.u32 s9, $0xF7A;
	s5 =	simm.s32 @!p2 $0x0  }
0x1d: {  	s5 =	simm.s32 @p1 $0x1;
	p0 =	seq.s32 s7, s2  }
0x1e: {  	s7 =	smul.u32 @!p0 $0xF7A, s2;
	p2 =	seq.s32 @!p0 s5, $0x0  }
0x1f: {  	s9 =	smul.u32 $0xF7A, s1;
	s8 =	simm.s32 @!p0 $0x1BF5;
	p2 =	por !p2, p0  }
0x20: {  	[sflag:s8] =	ssyncset.s32 @!p0 $0xFFFFF086;
	s6 =	sadd.s32 @!p0 s3, s7;
	s7 =	simm.s32 @!p0 $0x108  }
0x21: {  	s3 =	sadd.s32 s3, s9;
	s6 =	sadd.s32 @!p0 $0x88, s6;
	s7 =	simm.s32 @p2 $0x1082  }
0x22: {  	[simem:s7], [sflag:s8] =	dma.local @!p0 [hbm:s6], $0xF7A  }
0x23: {  	s9 =	sor.u32 $0xD0000000, s2;
	s6 =	simm.s32 $0x108;
	_ =	swait.ge @!p0 [sflag:s8], $0x0  }
0x24: {  	s3 =	sadd.s32 $0x88, s3;
	s6 =	simm.s32 @!p1 $0x1082;
	[sflag:s4] =	ssyncset.s32 $0xFFFFF086  }
0x25: {  	[simem:s6], [sflag:s4] =	dma.local [hbm:s3], $0xF7A  }
0x26: {  	[smem:$0x3F9E] =	sst s1;
	(tag) =	ssettag s2;
	_ =	strace s9  }
0x27: {  	s1 =	sld [smem:$0x3FAE]  }
0x28: {  	s2 =	sld [smem:$0x3FAF]  }
0x29: {  	s4 =	sld [smem:$0x3FB1]  }
0x2a: {  	p0 =	seq.s32 s5, $0x0;
	s5 =	sld [smem:$0x3FB2]  }
0x2b: {  	s6 =	sld [smem:$0x3FB3]  }
0x2c: {  	s7 =	sld [smem:$0x3FB4]  }
0x2d: {  	s3 =	simm.s32 $0x108;
	s8 =	sld [smem:$0x3FB5]  }
0x2e: {  	s3 =	simm.s32 @!p0 $0x1082;
	s9 =	sld [smem:$0x3FB6]  }
0x2f: {  	lr =	sadd.s32 s0, s3;
	s0 =	sld [smem:$0x3FAD]  }
0x30: {  	s3 =	sld [smem:$0x3FB0]  }
0x31: {  	[smem:$0x3FB9] =	sst s10  }
0x32: {  	s10 =	sld [smem:$0x3FB7];
	_ =	sdelay $0x3  }
0x33: {  	p0 =	seq.s32 s10, $0x1;
	s10 =	sld [smem:$0x3FB9];
	_ =	sdelay $0x3  }
0x34: {  	[smem:$0x3FB9] =	sst s10  }
0x35: {  	s10 =	sld [smem:$0x3FB8];
	_ =	sdelay $0x3  }
0x36: {  	p1 =	seq.s32 s10, $0x1;
	s10 =	sld [smem:$0x3FB9];
	_ =	sdelay $0x3  }
0x37: {  	[smem:$0x3FB9] =	sst s10  }
0x38: {  	s10 =	sld [smem:$0x3FBA]  }
0x39: {  	_ = 	snop;
	(pc) =	sbr.ind lr, $3  }
0x3a: {  	_ = 	snop  }
0x3b: {  	_ = 	snop  }
0x3c: {  	p2 =	seq.s32 s10, $0x1;
	s10 =	sld [smem:$0x3FB9]  }
0x3d: {  	_ =	shalt  }
0x3e: {  	_ =	shalt  }
0x3f: {  	_ =	shalt  }
0x40: {  	_ =	shalt  }
0x41: {  	_ =	shalt  }
0x42: {  	_ =	shalt  }
0x43: {  	_ =	shalt  }
0x44: {  	_ =	shalt  }
0x45: {  	_ =	shalt  }
0x46: {  	_ =	shalt  }
0x47: {  	_ =	shalt  }
0x48: {  	_ =	shalt  }
0x49: {  	_ =	shalt  }
0x4a: {  	_ =	shalt  }
0x4b: {  	_ =	shalt  }
0x4c: {  	_ =	shalt  }
0x4d: {  	_ =	shalt  }
0x4e: {  	_ =	shalt  }
0x4f: {  	_ =	shalt  }
0x50: {  	_ =	shalt  }
0x51: {  	_ =	shalt  }
0x52: {  	_ =	shalt  }
0x53: {  	_ =	shalt  }
0x54: {  	_ =	shalt  }
0x55: {  	_ =	shalt  }
0x56: {  	_ =	shalt  }
0x57: {  	_ =	shalt  }
0x58: {  	_ =	shalt  }
0x59: {  	_ =	shalt  }
0x5a: {  	_ =	shalt  }
0x5b: {  	_ =	shalt  }
0x5c: {  	_ =	shalt  }
0x5d: {  	_ =	shalt  }
0x5e: {  	_ =	shalt  }
0x5f: {  	_ =	shalt  }
0x60: {  	_ =	shalt  }
0x61: {  	_ =	shalt  }
0x62: {  	_ =	shalt  }
0x63: {  	_ =	shalt  }
0x64: {  	_ =	shalt  }
0x65: {  	_ =	shalt  }
0x66: {  	_ =	shalt  }
0x67: {  	_ =	shalt  }
0x68: {  	_ =	shalt  }
0x69: {  	_ =	shalt  }
0x6a: {  	_ =	shalt  }
0x6b: {  	_ =	shalt  }
0x6c: {  	_ =	shalt  }
0x6d: {  	_ =	shalt  }
0x6e: {  	_ =	shalt  }
0x6f: {  	_ =	shalt  }
0x70: {  	_ =	shalt  }
0x71: {  	_ =	shalt  }
0x72: {  	_ =	shalt  }
0x73: {  	_ =	shalt  }
0x74: {  	_ =	shalt  }
0x75: {  	_ =	shalt  }
0x76: {  	_ =	shalt  }
0x77: {  	_ =	shalt  }
0x78: {  	_ =	shalt  }
0x79: {  	_ =	shalt  }
0x7a: {  	_ =	shalt  }
0x7b: {  	_ =	shalt  }
0x7c: {  	_ =	shalt  }
0x7d: {  	_ =	shalt  }
0x7e: {  	_ =	shalt  }
0x7f: {  	_ =	shalt  }
0x80: {  	_ =	shalt  }
0x81: {  	_ =	shalt  }
0x82: {  	_ =	shalt  }
0x83: {  	_ =	shalt  }
0x84: {  	_ =	shalt  }
0x85: {  	_ =	shalt  }
0x86: {  	_ =	shalt  }
0x87: {  	_ =	shalt  }
.Lfunc_end0:
.L_simem_size_0:
called_computation_lowered:
.L_overlay_start_0:
0x88: {  	s0 =	sld [smem:$0x3FD9]  }
0x89: {  	s1 =	sld [smem:$0x3FFE];
	_ =	sdelay $0x3  }
0x8a: {  	s0 =	sadd.s32 s1, s0  }
0x8b: {  	[smem:$0x3FC5] =	sst s0  }
0x8c: {  	_ = 	snop  }
0x8d: {  	s0 =	sld [smem:$0x3FC9]  }
0x8e: {  	s16 =	sld [smem:$0x3FC8]  }
0x8f: {  	s2 =	sld [smem:$0x3FC7];
	(tm) =	ssettm $0x1  }
0x90: {  	s3 =	sld [smem:$0x3FFB];
	_ =	sdelay $0x3  }
0x91: {  	_ =	strace s3  }
0x92: {  	s3 =	sld [smem:$0x3FFC];
	_ =	sdelay $0x3  }
0x93: {  	_ =	strace s3  }
0x94: {  	s3 =	sld [smem:$0x3FFD];
	_ =	sdelay $0x3  }
0x95: {  	_ =	strace s3  }
0x96: {  	_ =	strace $0x8FFFFFFF  }
0x97: {  	s17 =	sld [smem:$0x3FDB];
	_ =	sdelay $0x1  }
0x98: {  	s4 =	simm.s32 $_scs_section_size  }
0x99: {  	s5 =	simm.s32 $_size__tile_overlayer_lowered;
	s6 =	simm.s32 $_tile_overlayer_lowered  }
0x9a: {  	s20 =	simm.s32 $0x1BFF;
	s19 =	sshll.u32 s6, $0x1;
	s3 =	sadd.s32 s4, s17  }
0x9b: {  	s7 =	simm.s32 $0x0;
	s18 =	sshll.u32 s5, $0x1;
	s5 =	sadd.s32 s19, s3  }
0x9c: {  	[timem:s7], [sflag:s20] =	dma.local [hbm:s5], s18  }
0x9d: {  	_ =	swait.ge [sflag:s20], s18  }
0x9e: {  	s4 =	ssub.s32 $0x0, s18;
	[sflag:s20] =	ssyncset.done $0x0  }
0x9f: {  	[sflag:s20] =	ssyncadd.s32 s4;
	_ =	sdelay $0x1  }
0xa0: {  	s21 =	simm.s32 $0x1B8B  }
0xa1: {  	_ =	swait.ge [sflag:s21], $0x1  }
0xa2: {  	[sflag:s21] =	ssyncset.done $0x0  }
0xa3: {  	s23 =	simm.s32 $0x1B8E;
	s22 =	sld [smem:$0x3FFE];
	[sflag:s21] =	ssyncadd.s32 $0xFFFFFFFF  }
0xa4: {  	s24 =	simm.s32 $execute0_lowered;
	[smem:$0x3FD2] =	sst s23  }
0xa5: {  	s5 =	sshll.u32 s24, $0x1;
	_ =	strace $0x80000046;
	[dreg:$0x1] =	wrdreg $0xFFFFFFFF  }
0xa6: {  	s25 =	simm.s32 $_size_execute0_lowered;
	s3 =	sadd.s32 s3, s5;
	[dreg:$0x0] =	wrdreg $0x0  }
0xa7: {  	s5 =	sshll.u32 s25, $0x1;
	[dreg:$0x2] =	wrdreg s3  }
0xa8: {  	[dreg:$0x3] =	wrdreg s5  }
0xa9: {  	[dreg:$0x4] =	wrdreg $0xC0  }
0xaa: {  	_ =	task [dreg:s7], $0x5FFFF  }
0xab: {  	[dreg:$0x1] =	wrdreg $0xFFFFFFFF  }
0xac: {  	[dreg:$0x0] =	wrdreg $0x60  }
0xad: {  	[dreg:$0x2] =	wrdreg s0  }
0xae: {  	[dreg:$0x3] =	wrdreg s16  }
0xaf: {  	[dreg:$0x4] =	wrdreg s2  }
0xb0: {  	[dreg:$0x5] =	wrdreg s22  }
0xb1: {  	[dreg:$0x6] =	wrdreg $0x9  }
0xb2: {  	_ =	task.clear_ibuf [dreg:s7], $0x7FFFF;
	_ =	strace $0x90000046  }
0xb3: {  	s26 =	simm.s32 $0x9;
	_ =	strace $0x80000048  }
0xb4: {  	_ =	swait.ge [sflag:s26], $0x1  }
0xb5: {  	[sflag:s26] =	ssyncadd.s32 $0xFFFFFFFF  }
0xb6: {  	_ =	strace $0x90000048  }
0xb7: {  	_ =	sfence  }
0xb8: {  	s28 =	sld [smem:$0x0];
	_ =	sdelay $0x1  }
0xb9: {  	s29 =	srdreg.scid  }
0xba: {  	s30 =	sshll.u32 s29, $0xD;
	s31 =	sshrl.u32 s29, $0x2  }
0xbb: {  	s1 =	sand.u32 $0x1, s29;
	s2 =	sand.u32 $0x4000, s30;
	s0 =	sadd.s32 s31, s28  }
0xbc: {  	s1 =	sor.u32 s2, s1;
	s0 =	sshll.u32 s0, $0x11  }
0xbd: {  	s0 =	sor.u32 s0, s1  }
0xbe: {  	s0 =	sadd.s32 $0x8F2B, s0  }
0xbf: {  	[sflag:s0] =	ssyncadd.remote.s32 $0x1  }
0xc0: {  	_ =	sfence.sel $0xFFFF  }
0xc1: {  	[dreg:$0x0] =	wrdreg $0xFFFFFFFF;
	(pc) =	sbr.abs _section_cstart, $3  }
0xc2: {  	[dreg:$0x1] =	wrdreg $0xFFFFFFFF  }
0xc3: {  	_ =	task.clear_ibuf [dreg:s7], $0x2FFFF;
	_ =	strace $0x9FFFFFFF  }
0xc4: {  	(tm) =	ssettm $0x7FFFFFFF  }
0xc5: {  	_ =	shalt  }
tec
execute0_lowered:
.L_overlay_start_1:
0x0: {  	(tag) =	ssettag $0x1  }
0x1: {  	s3 =	rddreg [dreg:$0x0]  }
0x2: {  	s4 =	rddreg [dreg:$0x1]  }
0x3: {  	s5 =	rddreg [dreg:$0x2]  }
0x4: {  	s2 =	rddreg [dreg:$0x3];
	s6 =	simm.s32 $0x0;
	s1 =	stileid.u32  }
0x5: {  	[smem:$0x7FF] =	sst s6;
	s7 =	sshll.u32 s1, $0x5  }
0x6: {  	s0 =	rddreg [dreg:$0x4];
	_ =	strace $0x80000047;
	s3 =	sadd.s32 s3, s7  }
0x7: {  	[tilespmem:s6], [sflag:$0x1] =	stream.linear.gather [hbm4b:s3+s6], $0x100, $0x38;
	[tilespmem:$0xB80] =	vst v63  }
0x8: {  	s21 =	simm.s32 $0x100;
	s20 =	sadd.s32 s4, s7  }
0x9: {  	[tilespmem:s21], [sflag:$0x1] =	stream.linear.gather [hbm4b:s20+s6], $0x100, $0x38;
	[tilespmem:$0xB80] =	vst v63  }
0xa: {  	s23 =	simm.s32 $0x200;
	s22 =	sadd.s32 s5, s7  }
0xb: {  	v0 =	vimm.f32 $0.0e+00;
	[tilespmem:s23], [sflag:$0x1] =	stream.linear.gather [hbm4b:s22+s6], $0x100, $0x38;
	[tilespmem:$0xB80] =	vst v63  }
0xc: {  	[tilespmem:$0x300] =	vst v0  }
0xd: {  	[tilespmem:$0x310] =	vst v0  }
0xe: {  	[tilespmem:$0x320] =	vst v0  }
0xf: {  	[tilespmem:$0x330] =	vst v0  }
0x10: {  	[tilespmem:$0x340] =	vst v0  }
0x11: {  	[tilespmem:$0x350] =	vst v0  }
0x12: {  	[tilespmem:$0x360] =	vst v0  }
0x13: {  	[tilespmem:$0x370] =	vst v0  }
0x14: {  	[tilespmem:$0x380] =	vst v0  }
0x15: {  	[tilespmem:$0x390] =	vst v0  }
0x16: {  	[tilespmem:$0x3A0] =	vst v0  }
0x17: {  	[tilespmem:$0x3B0] =	vst v0  }
0x18: {  	[tilespmem:$0x3C0] =	vst v0  }
0x19: {  	[tilespmem:$0x3D0] =	vst v0  }
0x1a: {  	[tilespmem:$0x3E0] =	vst v0  }
0x1b: {  	[tilespmem:$0x3F0] =	vst v0  }
0x1c: {  	[tilespmem:$0x400] =	vst v0  }
0x1d: {  	[tilespmem:$0x410] =	vst v0  }
0x1e: {  	[tilespmem:$0x420] =	vst v0  }
0x1f: {  	[tilespmem:$0x430] =	vst v0  }
0x20: {  	[tilespmem:$0x440] =	vst v0  }
0x21: {  	[tilespmem:$0x450] =	vst v0  }
0x22: {  	[tilespmem:$0x460] =	vst v0  }
0x23: {  	[tilespmem:$0x470] =	vst v0  }
0x24: {  	[tilespmem:$0x480] =	vst v0  }
0x25: {  	[tilespmem:$0x490] =	vst v0  }
0x26: {  	[tilespmem:$0x4A0] =	vst v0  }
0x27: {  	[tilespmem:$0x4B0] =	vst v0  }
0x28: {  	[tilespmem:$0x4C0] =	vst v0  }
0x29: {  	[tilespmem:$0x4D0] =	vst v0  }
0x2a: {  	[tilespmem:$0x4E0] =	vst v0  }
0x2b: {  	[tilespmem:$0x4F0] =	vst v0  }
0x2c: {  	[tilespmem:$0x500] =	vst v0  }
0x2d: {  	[tilespmem:$0x510] =	vst v0  }
0x2e: {  	[tilespmem:$0x520] =	vst v0  }
0x2f: {  	[tilespmem:$0x530] =	vst v0  }
0x30: {  	[tilespmem:$0x540] =	vst v0  }
0x31: {  	[tilespmem:$0x550] =	vst v0  }
0x32: {  	[tilespmem:$0x560] =	vst v0  }
0x33: {  	[tilespmem:$0x570] =	vst v0  }
0x34: {  	[tilespmem:$0x580] =	vst v0  }
0x35: {  	[tilespmem:$0x590] =	vst v0  }
0x36: {  	[tilespmem:$0x5A0] =	vst v0  }
0x37: {  	[tilespmem:$0x5B0] =	vst v0  }
0x38: {  	[tilespmem:$0x5C0] =	vst v0  }
0x39: {  	[tilespmem:$0x5D0] =	vst v0  }
0x3a: {  	[tilespmem:$0x5E0] =	vst v0  }
0x3b: {  	[tilespmem:$0x5F0] =	vst v0  }
0x3c: {  	[tilespmem:$0x600] =	vst v0  }
0x3d: {  	[tilespmem:$0x610] =	vst v0  }
0x3e: {  	[tilespmem:$0x620] =	vst v0  }
0x3f: {  	[tilespmem:$0x630] =	vst v0  }
0x40: {  	[tilespmem:$0x640] =	vst v0  }
0x41: {  	[tilespmem:$0x650] =	vst v0  }
0x42: {  	[tilespmem:$0x660] =	vst v0  }
0x43: {  	[tilespmem:$0x670] =	vst v0  }
0x44: {  	[tilespmem:$0x680] =	vst v0  }
0x45: {  	[tilespmem:$0x690] =	vst v0  }
0x46: {  	[tilespmem:$0x6A0] =	vst v0  }
0x47: {  	[tilespmem:$0x6B0] =	vst v0  }
0x48: {  	[tilespmem:$0x6C0] =	vst v0  }
0x49: {  	[tilespmem:$0x6D0] =	vst v0  }
0x4a: {  	[tilespmem:$0x6E0] =	vst v0  }
0x4b: {  	[tilespmem:$0x6F0] =	vst v0  }
0x4c: {  	[tilespmem:$0x700] =	vst v0  }
0x4d: {  	[tilespmem:$0x710] =	vst v0  }
0x4e: {  	[tilespmem:$0x720] =	vst v0  }
0x4f: {  	[tilespmem:$0x730] =	vst v0  }
0x50: {  	[tilespmem:$0x740] =	vst v0  }
0x51: {  	[tilespmem:$0x750] =	vst v0  }
0x52: {  	[tilespmem:$0x760] =	vst v0  }
0x53: {  	[tilespmem:$0x770] =	vst v0  }
0x54: {  	[tilespmem:$0x780] =	vst v0  }
0x55: {  	[tilespmem:$0x790] =	vst v0  }
0x56: {  	[tilespmem:$0x7A0] =	vst v0  }
0x57: {  	[tilespmem:$0x7B0] =	vst v0  }
0x58: {  	[tilespmem:$0x7C0] =	vst v0  }
0x59: {  	[tilespmem:$0x7D0] =	vst v0  }
0x5a: {  	[tilespmem:$0x7E0] =	vst v0  }
0x5b: {  	[tilespmem:$0x7F0] =	vst v0  }
0x5c: {  	[tilespmem:$0x800] =	vst v0  }
0x5d: {  	[tilespmem:$0x810] =	vst v0  }
0x5e: {  	[tilespmem:$0x820] =	vst v0  }
0x5f: {  	[tilespmem:$0x830] =	vst v0  }
0x60: {  	[tilespmem:$0x840] =	vst v0  }
0x61: {  	[tilespmem:$0x850] =	vst v0  }
0x62: {  	[tilespmem:$0x860] =	vst v0  }
0x63: {  	[tilespmem:$0x870] =	vst v0  }
0x64: {  	[tilespmem:$0x880] =	vst v0  }
0x65: {  	[tilespmem:$0x890] =	vst v0  }
0x66: {  	[tilespmem:$0x8A0] =	vst v0  }
0x67: {  	[tilespmem:$0x8B0] =	vst v0  }
0x68: {  	[tilespmem:$0x8C0] =	vst v0  }
0x69: {  	[tilespmem:$0x8D0] =	vst v0  }
0x6a: {  	[tilespmem:$0x8E0] =	vst v0  }
0x6b: {  	[tilespmem:$0x8F0] =	vst v0  }
0x6c: {  	[tilespmem:$0x900] =	vst v0  }
0x6d: {  	[tilespmem:$0x910] =	vst v0  }
0x6e: {  	[tilespmem:$0x920] =	vst v0  }
0x6f: {  	[tilespmem:$0x930] =	vst v0  }
0x70: {  	[tilespmem:$0x940] =	vst v0  }
0x71: {  	[tilespmem:$0x950] =	vst v0  }
0x72: {  	[tilespmem:$0x960] =	vst v0  }
0x73: {  	[tilespmem:$0x970] =	vst v0  }
0x74: {  	[tilespmem:$0x980] =	vst v0  }
0x75: {  	[tilespmem:$0x990] =	vst v0  }
0x76: {  	[tilespmem:$0x9A0] =	vst v0  }
0x77: {  	[tilespmem:$0x9B0] =	vst v0  }
0x78: {  	[tilespmem:$0x9C0] =	vst v0  }
0x79: {  	[tilespmem:$0x9D0] =	vst v0  }
0x7a: {  	[tilespmem:$0x9E0] =	vst v0  }
0x7b: {  	[tilespmem:$0x9F0] =	vst v0  }
0x7c: {  	[tilespmem:$0xA00] =	vst v0  }
0x7d: {  	[tilespmem:$0xA10] =	vst v0  }
0x7e: {  	[tilespmem:$0xA20] =	vst v0  }
0x7f: {  	[tilespmem:$0xA30] =	vst v0  }
0x80: {  	[tilespmem:$0xA40] =	vst v0  }
0x81: {  	[tilespmem:$0xA50] =	vst v0  }
0x82: {  	[tilespmem:$0xA60] =	vst v0  }
0x83: {  	[tilespmem:$0xA70] =	vst v0  }
0x84: {  	[tilespmem:$0xA80] =	vst v0  }
0x85: {  	[tilespmem:$0xA90] =	vst v0  }
0x86: {  	[tilespmem:$0xAA0] =	vst v0  }
0x87: {  	[tilespmem:$0xAB0] =	vst v0  }
0x88: {  	[tilespmem:$0xAC0] =	vst v0  }
0x89: {  	[tilespmem:$0xAD0] =	vst v0  }
0x8a: {  	[tilespmem:$0xAE0] =	vst v0  }
0x8b: {  	[tilespmem:$0xAF0] =	vst v0  }
0x8c: {  	[tilespmem:$0xB00] =	vst v0  }
0x8d: {  	[tilespmem:$0xB10] =	vst v0  }
0x8e: {  	[tilespmem:$0xB20] =	vst v0  }
0x8f: {  	[tilespmem:$0xB30] =	vst v0  }
0x90: {  	[tilespmem:$0xB40] =	vst v0  }
0x91: {  	[tilespmem:$0xB50] =	vst v0  }
0x92: {  	[tilespmem:$0xB60] =	vst v0  }
0x93: {  	s24 =	simm.s32 $0x1;
	[tilespmem:$0xB70] =	vst v0  }
0x94: {  	_ =	swait.ge [sflag:s24], $0x100  }
0x95: {  	[sflag:s24] =	ssyncset.done $0x0  }
0x96: {  	[sflag:s24] =	ssyncadd.s32 $0xFFFFFF00  }
0x97: {  	_ =	swait.ge [sflag:s24], $0x100  }
0x98: {  	[sflag:s24] =	ssyncset.done $0x0  }
0x99: {  	[sflag:s24] =	ssyncadd.s32 $0xFFFFFF00  }
0x9a: {  	_ =	swait.ge [sflag:s24], $0x100  }
0x9b: {  	[sflag:s24] =	ssyncset.done $0x0  }
0x9c: {  	[sflag:s24] =	ssyncadd.s32 $0xFFFFFF00  }
0x9d: {  	v61 =	vld [tilespmem:$0x0];
	_ =	sdelay $0x4  }
0x9e: {  	v0 =	vmul.f32 $1.442695020e+00, v61;
	_ =	sdelay $0x1  }
0x9f: {  	(erf) = vpow2.f32 v0;
	_ =	sdelay $0x1  }
0xa0: {  	v62 =	vld [tilespmem:$0x200];
	_ =	sdelay $0x6  }
0xa1: {  	s25 =	simm.s32 $0x300;
	v1 =	vpop (erf)  }
0xa2: {  	[tilespmem:v62+s25+$0x0] =	vst.idx.add.f32.msk $0xffff, v1  }
0xa3: {  	v0 =	vadd.s32 $0x400, v62;
	v1 =	vld [tilespmem:$0x100];
	_ =	sdelay $0x4  }
0xa4: {  	[tilespmem:v0+s25+$0x0] =	vst.idx.add.f32.msk $0xffff, v1  }
0xa5: {  	v0 =	vld [tilespmem:$0x10];
	_ =	sdelay $0x4  }
0xa6: {  	v0 =	vmul.f32 $1.442695020e+00, v0;
	_ =	sdelay $0x1  }
0xa7: {  	(erf) = vpow2.f32 v0;
	_ =	sdelay $0x1  }
0xa8: {  	v2 =	vld [tilespmem:$0x210];
	_ =	sdelay $0x5  }
0xa9: {  	v63 =	vld [tilespmem:$0x100]  }
0xaa: {  	v1 =	vld [tilespmem:$0x0];
	v3 =	vpop (erf)  }
0xab: {  	[tilespmem:v2+s25+$0x0] =	vst.idx.add.f32.msk $0xffff, v3  }
0xac: {  	v2 =	vadd.s32 $0x400, v2;
	v3 =	vld [tilespmem:$0x110];
	_ =	sdelay $0x4  }
0xad: {  	[tilespmem:v2+s25+$0x0] =	vst.idx.add.f32.msk $0xffff, v3  }
0xae: {  	v2 =	vld [tilespmem:$0x20];
	_ =	sdelay $0x4  }
0xaf: {  	v2 =	vmul.f32 $1.442695020e+00, v2;
	_ =	sdelay $0x1  }
0xb0: {  	(erf) = vpow2.f32 v2;
	_ =	sdelay $0x1  }
0xb1: {  	v4 =	vld [tilespmem:$0x220];
	_ =	sdelay $0x5  }
0xb2: {  	v32 =	vld [tilespmem:$0x110]  }
0xb3: {  	v3 =	vld [tilespmem:$0x10];
	v5 =	vpop (erf)  }
0xb4: {  	[tilespmem:v4+s25+$0x0] =	vst.idx.add.f32.msk $0xffff, v5  }
0xb5: {  	v4 =	vadd.s32 $0x400, v4;
	v5 =	vld [tilespmem:$0x120];
	_ =	sdelay $0x4  }
0xb6: {  	[tilespmem:v4+s25+$0x0] =	vst.idx.add.f32.msk $0xffff, v5  }
0xb7: {  	v4 =	vld [tilespmem:$0x30];
	_ =	sdelay $0x4  }
0xb8: {  	v4 =	vmul.f32 $1.442695020e+00, v4;
	_ =	sdelay $0x1  }
0xb9: {  	(erf) = vpow2.f32 v4;
	_ =	sdelay $0x1  }
0xba: {  	v6 =	vld [tilespmem:$0x230];
	_ =	sdelay $0x5  }
0xbb: {  	v33 =	vld [tilespmem:$0x120]  }
0xbc: {  	v5 =	vld [tilespmem:$0x20];
	v7 =	vpop (erf)  }
0xbd: {  	[tilespmem:v6+s25+$0x0] =	vst.idx.add.f32.msk $0xffff, v7  }
0xbe: {  	v6 =	vadd.s32 $0x400, v6;
	v7 =	vld [tilespmem:$0x130];
	_ =	sdelay $0x4  }
0xbf: {  	[tilespmem:v6+s25+$0x0] =	vst.idx.add.f32.msk $0xffff, v7  }
0xc0: {  	v6 =	vld [tilespmem:$0x40];
	_ =	sdelay $0x4  }
0xc1: {  	v6 =	vmul.f32 $1.442695020e+00, v6;
	_ =	sdelay $0x1  }
0xc2: {  	(erf) = vpow2.f32 v6;
	_ =	sdelay $0x1  }
0xc3: {  	v34 =	vld [tilespmem:$0x240];
	_ =	sdelay $0x5  }
0xc4: {  	v7 =	vld [tilespmem:$0x130]  }
0xc5: {  	v8 =	vld [tilespmem:$0x30];
	v9 =	vpop (erf)  }
0xc6: {  	[tilespmem:v34+s25+$0x0] =	vst.idx.add.f32.msk $0xffff, v9  }
0xc7: {  	v6 =	vadd.s32 $0x400, v34;
	v9 =	vld [tilespmem:$0x140];
	_ =	sdelay $0x4  }
0xc8: {  	[tilespmem:v6+s25+$0x0] =	vst.idx.add.f32.msk $0xffff, v9  }
0xc9: {  	v6 =	vld [tilespmem:$0x50];
	_ =	sdelay $0x4  }
0xca: {  	v6 =	vmul.f32 $1.442695020e+00, v6;
	_ =	sdelay $0x1  }
0xcb: {  	(erf) = vpow2.f32 v6;
	_ =	sdelay $0x1  }
0xcc: {  	v35 =	vld [tilespmem:$0x250];
	_ =	sdelay $0x5  }
0xcd: {  	v9 =	vld [tilespmem:$0x140]  }
0xce: {  	v10 =	vld [tilespmem:$0x40];
	v11 =	vpop (erf)  }
0xcf: {  	[tilespmem:v35+s25+$0x0] =	vst.idx.add.f32.msk $0xffff, v11  }
0xd0: {  	v6 =	vadd.s32 $0x400, v35;
	v11 =	vld [tilespmem:$0x150];
	_ =	sdelay $0x4  }
0xd1: {  	[tilespmem:v6+s25+$0x0] =	vst.idx.add.f32.msk $0xffff, v11  }
0xd2: {  	v6 =	vld [tilespmem:$0x60];
	_ =	sdelay $0x4  }
0xd3: {  	v6 =	vmul.f32 $1.442695020e+00, v6;
	_ =	sdelay $0x1  }
0xd4: {  	(erf) = vpow2.f32 v6;
	_ =	sdelay $0x1  }
0xd5: {  	v36 =	vld [tilespmem:$0x260];
	_ =	sdelay $0x5  }
0xd6: {  	v11 =	vld [tilespmem:$0x150]  }
0xd7: {  	v12 =	vld [tilespmem:$0x50];
	v13 =	vpop (erf)  }
0xd8: {  	[tilespmem:v36+s25+$0x0] =	vst.idx.add.f32.msk $0xffff, v13  }
0xd9: {  	v6 =	vadd.s32 $0x400, v36;
	v13 =	vld [tilespmem:$0x160];
	_ =	sdelay $0x4  }
0xda: {  	[tilespmem:v6+s25+$0x0] =	vst.idx.add.f32.msk $0xffff, v13  }
0xdb: {  	v6 =	vld [tilespmem:$0x70];
	_ =	sdelay $0x4  }
0xdc: {  	v6 =	vmul.f32 $1.442695020e+00, v6;
	_ =	sdelay $0x1  }
0xdd: {  	(erf) = vpow2.f32 v6;
	_ =	sdelay $0x1  }
0xde: {  	v37 =	vld [tilespmem:$0x270];
	_ =	sdelay $0x5  }
0xdf: {  	v13 =	vld [tilespmem:$0x160]  }
0xe0: {  	v14 =	vld [tilespmem:$0x60];
	v15 =	vpop (erf)  }
0xe1: {  	[tilespmem:v37+s25+$0x0] =	vst.idx.add.f32.msk $0xffff, v15  }
0xe2: {  	v6 =	vadd.s32 $0x400, v37;
	v15 =	vld [tilespmem:$0x170];
	_ =	sdelay $0x4  }
0xe3: {  	[tilespmem:v6+s25+$0x0] =	vst.idx.add.f32.msk $0xffff, v15  }
0xe4: {  	v6 =	vld [tilespmem:$0x80];
	_ =	sdelay $0x4  }
0xe5: {  	v6 =	vmul.f32 $1.442695020e+00, v6;
	_ =	sdelay $0x1  }
0xe6: {  	(erf) = vpow2.f32 v6;
	_ =	sdelay $0x1  }
0xe7: {  	v38 =	vld [tilespmem:$0x280];
	_ =	sdelay $0x5  }
0xe8: {  	v15 =	vld [tilespmem:$0x170]  }
0xe9: {  	v16 =	vld [tilespmem:$0x70];
	v17 =	vpop (erf)  }
0xea: {  	[tilespmem:v38+s25+$0x0] =	vst.idx.add.f32.msk $0xffff, v17  }
0xeb: {  	v6 =	vadd.s32 $0x400, v38;
	v17 =	vld [tilespmem:$0x180];
	_ =	sdelay $0x4  }
0xec: {  	[tilespmem:v6+s25+$0x0] =	vst.idx.add.f32.msk $0xffff, v17  }
0xed: {  	v6 =	vld [tilespmem:$0x90];
	_ =	sdelay $0x4  }
0xee: {  	v6 =	vmul.f32 $1.442695020e+00, v6;
	_ =	sdelay $0x1  }
0xef: {  	(erf) = vpow2.f32 v6;
	_ =	sdelay $0x1  }
0xf0: {  	v39 =	vld [tilespmem:$0x290];
	_ =	sdelay $0x5  }
0xf1: {  	v17 =	vld [tilespmem:$0x180]  }
0xf2: {  	v18 =	vld [tilespmem:$0x80];
	v19 =	vpop (erf)  }
0xf3: {  	[tilespmem:v39+s25+$0x0] =	vst.idx.add.f32.msk $0xffff, v19  }
0xf4: {  	v6 =	vadd.s32 $0x400, v39;
	v19 =	vld [tilespmem:$0x190];
	_ =	sdelay $0x4  }
0xf5: {  	[tilespmem:v6+s25+$0x0] =	vst.idx.add.f32.msk $0xffff, v19  }
0xf6: {  	v6 =	vld [tilespmem:$0xA0];
	_ =	sdelay $0x4  }
0xf7: {  	v6 =	vmul.f32 $1.442695020e+00, v6;
	_ =	sdelay $0x1  }
0xf8: {  	(erf) = vpow2.f32 v6;
	_ =	sdelay $0x1  }
0xf9: {  	v40 =	vld [tilespmem:$0x2A0];
	_ =	sdelay $0x5  }
0xfa: {  	v19 =	vld [tilespmem:$0x190]  }
0xfb: {  	v20 =	vld [tilespmem:$0x90];
	v21 =	vpop (erf)  }
0xfc: {  	[tilespmem:v40+s25+$0x0] =	vst.idx.add.f32.msk $0xffff, v21  }
0xfd: {  	v6 =	vadd.s32 $0x400, v40;
	v21 =	vld [tilespmem:$0x1A0];
	_ =	sdelay $0x4  }
0xfe: {  	[tilespmem:v6+s25+$0x0] =	vst.idx.add.f32.msk $0xffff, v21  }
0xff: {  	v6 =	vld [tilespmem:$0xB0];
	_ =	sdelay $0x4  }
0x100: {  	v6 =	vmul.f32 $1.442695020e+00, v6;
	_ =	sdelay $0x1  }
0x101: {  	(erf) = vpow2.f32 v6;
	_ =	sdelay $0x1  }
0x102: {  	v41 =	vld [tilespmem:$0x2B0];
	_ =	sdelay $0x5  }
0x103: {  	v21 =	vld [tilespmem:$0x1A0]  }
0x104: {  	v22 =	vld [tilespmem:$0xA0];
	v23 =	vpop (erf)  }
0x105: {  	[tilespmem:v41+s25+$0x0] =	vst.idx.add.f32.msk $0xffff, v23  }
0x106: {  	v6 =	vadd.s32 $0x400, v41;
	v23 =	vld [tilespmem:$0x1B0];
	_ =	sdelay $0x4  }
0x107: {  	[tilespmem:v6+s25+$0x0] =	vst.idx.add.f32.msk $0xffff, v23  }
0x108: {  	v6 =	vld [tilespmem:$0xC0];
	_ =	sdelay $0x4  }
0x109: {  	v6 =	vmul.f32 $1.442695020e+00, v6;
	_ =	sdelay $0x1  }
0x10a: {  	(erf) = vpow2.f32 v6;
	_ =	sdelay $0x1  }
0x10b: {  	v42 =	vld [tilespmem:$0x2C0];
	_ =	sdelay $0x5  }
0x10c: {  	v23 =	vld [tilespmem:$0x1B0]  }
0x10d: {  	v24 =	vld [tilespmem:$0xB0];
	v25 =	vpop (erf)  }
0x10e: {  	[tilespmem:v42+s25+$0x0] =	vst.idx.add.f32.msk $0xffff, v25  }
0x10f: {  	v6 =	vadd.s32 $0x400, v42;
	v25 =	vld [tilespmem:$0x1C0];
	_ =	sdelay $0x4  }
0x110: {  	[tilespmem:v6+s25+$0x0] =	vst.idx.add.f32.msk $0xffff, v25  }
0x111: {  	v6 =	vld [tilespmem:$0xD0];
	_ =	sdelay $0x4  }
0x112: {  	v6 =	vmul.f32 $1.442695020e+00, v6;
	_ =	sdelay $0x1  }
0x113: {  	(erf) = vpow2.f32 v6;
	_ =	sdelay $0x1  }
0x114: {  	v43 =	vld [tilespmem:$0x2D0];
	_ =	sdelay $0x5  }
0x115: {  	v25 =	vld [tilespmem:$0x1C0]  }
0x116: {  	v26 =	vld [tilespmem:$0xC0];
	v27 =	vpop (erf)  }
0x117: {  	[tilespmem:v43+s25+$0x0] =	vst.idx.add.f32.msk $0xffff, v27  }
0x118: {  	v6 =	vadd.s32 $0x400, v43;
	v27 =	vld [tilespmem:$0x1D0];
	_ =	sdelay $0x4  }
0x119: {  	[tilespmem:v6+s25+$0x0] =	vst.idx.add.f32.msk $0xffff, v27  }
0x11a: {  	v6 =	vld [tilespmem:$0xE0];
	_ =	sdelay $0x4  }
0x11b: {  	v6 =	vmul.f32 $1.442695020e+00, v6;
	_ =	sdelay $0x1  }
0x11c: {  	(erf) = vpow2.f32 v6;
	_ =	sdelay $0x1  }
0x11d: {  	v44 =	vld [tilespmem:$0x2E0];
	_ =	sdelay $0x5  }
0x11e: {  	v27 =	vld [tilespmem:$0x1D0]  }
0x11f: {  	v28 =	vld [tilespmem:$0xD0];
	v29 =	vpop (erf)  }
0x120: {  	[tilespmem:v44+s25+$0x0] =	vst.idx.add.f32.msk $0xffff, v29  }
0x121: {  	v6 =	vadd.s32 $0x400, v44;
	v29 =	vld [tilespmem:$0x1E0];
	_ =	sdelay $0x4  }
0x122: {  	[tilespmem:v6+s25+$0x0] =	vst.idx.add.f32.msk $0xffff, v29  }
0x123: {  	v0 =	vmul.f32 v1, v63;
	v45 =	vld [tilespmem:$0xF0];
	_ =	sdelay $0x1  }
0x124: {  	v0 =	vadd.f32 $0.0e+00, v0;
	v2 =	vmul.f32 v3, v32;
	_ =	sdelay $0x1  }
0x125: {  	v0 =	vadd.f32 v2, v0;
	v46 =	vmul.f32 v5, v33  }
0x126: {  	v1 =	vmul.f32 $1.442695020e+00, v45  }
0x127: {  	v0 =	vadd.f32 v46, v0;
	v47 =	vmul.f32 v8, v7  }
0x128: {  	(erf) = vpow2.f32 v1  }
0x129: {  	v0 =	vadd.f32 v47, v0;
	v48 =	vmul.f32 v10, v9  }
0x12a: {  	v49 =	vld [tilespmem:$0x2F0]  }
0x12b: {  	v0 =	vadd.f32 v48, v0;
	v50 =	vmul.f32 v12, v11;
	_ =	sdelay $0x1  }
0x12c: {  	v0 =	vadd.f32 v50, v0;
	v51 =	vmul.f32 v14, v13;
	_ =	sdelay $0x1  }
0x12d: {  	v0 =	vadd.f32 v51, v0;
	v52 =	vmul.f32 v16, v15  }
0x12e: {  	v53 =	vld [tilespmem:$0x1E0]  }
0x12f: {  	v0 =	vadd.f32 v52, v0;
	v54 =	vmul.f32 v18, v17;
	v55 =	vld [tilespmem:$0xE0];
	v56 =	vpop (erf)  }
0x130: {  	[tilespmem:v49+s25+$0x0] =	vst.idx.add.f32.msk $0xffff, v56  }
0x131: {  	v0 =	vadd.f32 v54, v0;
	v57 =	vmul.f32 v20, v19;
	v2 =	vadd.s32 $0x400, v49;
	v5 =	vld [tilespmem:$0x1F0];
	_ =	sdelay $0x1  }
0x132: {  	v0 =	vadd.f32 v57, v0;
	v58 =	vmul.f32 v22, v21;
	_ =	sdelay $0x1  }
0x133: {  	v0 =	vadd.f32 v58, v0;
	v59 =	vmul.f32 v24, v23  }
0x134: {  	[tilespmem:v2+s25+$0x0] =	vst.idx.add.f32.msk $0xffff, v5  }
0x135: {  	v0 =	vadd.f32 v59, v0;
	v60 =	vmul.f32 v26, v25;
	v2 =	vld [tilespmem:$0x1F0]  }
0x136: {  	v5 =	vld [tilespmem:$0xF0]  }
0x137: {  	v0 =	vadd.f32 v60, v0;
	v61 =	vmul.f32 v28, v27;
	_ =	sdelay $0x1  }
0x138: {  	s26 =	sshrl.u32 s1, $0x3;
	v0 =	vadd.f32 v61, v0;
	v62 =	vmul.f32 v55, v53  }
0x139: {  	s28 =	sshll.u32 s1, $0x7;
	s4 =	smul.u32 $0x4400, s26  }
0x13a: {  	s5 =	sand.u32 $0x380, s28;
	v0 =	vadd.f32 v62, v0;
	v63 =	vmul.f32 v5, v2  }
0x13b: {  	s4 =	sor.u32 s5, s4  }
0x13c: {  	s4 =	sshrl.u32 s4, $0x3;
	v0 =	vadd.f32 v63, v0  }
0x13d: {  	s29 =	simm.s32 $0x80;
	s2 =	sadd.s32 s4, s2  }
0x13e: {  	s30 =	simm.s32 $0x400;
	s31 =	simm.s32 $0x2;
	s2 =	sadd.s32 $0x600, s2;
	[tilespmem:$0xB00] =	vst v0  }
0x13f: {  	[hbm4b:s2+s29] =	stream.strided.scatter [tilespmem:s25], [sflag:$0x2], $0x880, s30, s29, $0x38;
	[tilespmem:$0xB80] =	vst v63  }
0x140: {  	_ =	swait.ge [sflag:s31], $0x880  }
0x141: {  	[sflag:s31] =	ssyncset.done $0x0  }
0x142: {  	[sflag:s31] =	ssyncadd.s32 $0xFFFFF780  }
0x143: {  	_ =	sfence.sel $0x180000  }
0x144: {  	[bflag:$0x0] =	sbarrier.arrive $0xFFFF  }
0x145: {  	p0 =	sne.s32 s1, $0x0;
	_ =	strace $0x90000047  }
0x146: {  	s0 =	sadd.s32 @!p0 $0x100000, s0;
	[bflag:$0x2] =	sbarrier.arrive $0xFFFF  }
0x147: {  	[sflag:s0] =	ssyncadd.tile.s32 @!p0 $0x1;
	_ =	shalt  }
.Lfunc_end2:
_tile_overlayer_lowered:
.L_overlay_start_2:
0x148: {  	(tag) =	ssettag $0x2  }
0x149: {  	s0 =	rddreg [dreg:$0x0];
	s2 =	stileid.u32  }
0x14a: {  	s1 =	rddreg [dreg:$0x1];
	p0 =	sne.s32 s2, $0x0  }
0x14b: {  	s3 =	rddreg [dreg:$0x2];
	[bflag:$0x3] =	sbarrier.arrive $0xFFFF;
	s2 =	simm.s32 @!p0 $0x1C02  }
0x14c: {  	[timem:s3], [sflag:s2] =	dma.local @!p0 [hbm:s0], s1  }
0x14d: {  	s0 =	simm.s32 @!p0 $0x2  }
0x14e: {  	_ =	swait.ge @!p0 [sflag:s0], s1  }
0x14f: {  	s1 =	ssub.s32 @!p0 $0x0, s1;
	[sflag:s0] =	ssyncset.done @!p0 $0x0  }
0x150: {  	[sflag:s0] =	ssyncadd.s32 @!p0 s1  }
0x151: {  	[bflag:$0x3] =	sbarrier.arrive $0xFFFF  }
0x152: {  	_ =	shalt  }

</sc_bundles>
